<compile_context>
chip_gen: v7x
topology: tpu7x:2x2x1
jax: 0.10.2.dev20260603
libtpu: 0.0.44.dev20260713+nightly
codegen_flags: <defaults>
</compile_context>

<pallas_src>
import functools

import jax
import jax.numpy as jnp
from jax import lax
from jax.experimental import pallas as pl
from jax.experimental.pallas import tpu as pltpu
from jax.experimental.pallas import tpu_sc as plsc

N = 10000
E = 160000
HID = 256

NTILES = 32
RANGE = 320
NPAD = RANGE * NTILES
CHUNK = 128


def _agg_body(table_hbm, asrt_hbm, ssrt_hbm, ld_hbm, bounds_hbm, out_hbm,
              bounds_v, sidx_v, a_v, ld_v, rows_v, acc_v, sem):
    wid = lax.axis_index("s") * 2 + lax.axis_index("c")
    node_base = wid * RANGE

    zero = jnp.zeros((16,), jnp.float32)

    def _zero_row(r, _):
        def _zero_col(v, _):
            acc_v[r, pl.ds(v * 16, 16)] = zero
            return 0
        return lax.fori_loop(0, 16, _zero_col, 0)

    lax.fori_loop(0, RANGE, _zero_row, 0)

    pltpu.sync_copy(bounds_hbm, bounds_v.at[pl.ds(0, 40)])
    lo = bounds_v[pl.ds(wid, 16)][0]
    hi = bounds_v[pl.ds(wid + 1, 16)][0]
    lo8 = (lo // 8) * 8
    nchunks = (hi - lo8 + CHUNK - 1) // CHUNK

    def _chunk(k, _):
        c0 = lo8 + k * CHUNK
        pltpu.sync_copy(ssrt_hbm.at[pl.ds(c0, CHUNK)], sidx_v)
        pltpu.sync_copy(asrt_hbm.at[pl.ds(c0, CHUNK)], a_v.at[pl.ds(0, CHUNK)])
        pltpu.sync_copy(ld_hbm.at[pl.ds(c0, CHUNK)], ld_v.at[pl.ds(0, CHUNK)])
        pltpu.async_copy(table_hbm.at[sidx_v], rows_v, sem).wait()
        start_i = jnp.maximum(lo, c0)
        end_i = jnp.minimum(hi, c0 + CHUNK)

        def _edge(i, _):
            j = i - c0
            a = a_v[pl.ds(j, 16)][0]
            ldi = ld_v[pl.ds(j, 16)][0]
            for v in range(16):
                sl = pl.ds(v * 16, 16)
                plsc.addupdate(acc_v.at[ldi, sl], a * rows_v[j, sl])
            return 0

        lax.fori_loop(start_i, end_i, _edge, 0)
        return 0

    lax.fori_loop(0, nchunks, _chunk, 0)
    pltpu.sync_copy(acc_v, out_hbm.at[pl.ds(node_base, RANGE)])


@jax.jit
def _sc_aggregate(table, asrt, ssrt, ld, bounds):
    mesh = plsc.VectorSubcoreMesh(core_axis_name="c", subcore_axis_name="s")
    k = pl.kernel(
        _agg_body,
        mesh=mesh,
        out_type=jax.ShapeDtypeStruct((NPAD, HID), jnp.float32),
        scratch_types=[
            pltpu.VMEM((56,), jnp.int32),
            pltpu.VMEM((CHUNK,), jnp.int32),
            pltpu.VMEM((CHUNK + 16,), jnp.float32),
            pltpu.VMEM((CHUNK + 16,), jnp.int32),
            pltpu.VMEM((CHUNK, HID), jnp.float32),
            pltpu.VMEM((RANGE, HID), jnp.float32),
            pltpu.SemaphoreType.DMA,
        ],
    )
    return k(table, asrt, ssrt, ld, bounds)


def _pad_chunk(a):
    return jnp.concatenate([a, jnp.zeros((CHUNK,), a.dtype)])


def _edge_plan(dst):
    perm = jnp.argsort(dst, stable=True)
    dsts = dst[perm]
    starts = jnp.arange(NTILES + 1, dtype=jnp.int32) * RANGE
    bounds = jnp.searchsorted(dsts, starts, side="left").astype(jnp.int32)
    bounds = jnp.concatenate([bounds, jnp.zeros((7,), jnp.int32)])
    ld = _pad_chunk((dsts % RANGE).astype(jnp.int32))
    return perm, bounds, ld


def kernel(x, edge_index, W1, att_src1, att_dst1, b1, g1, be1, W2, att_src2, att_dst2, b2, g2, be2):
    src = edge_index[0]
    dst = edge_index[1]
    perm, bounds, ld = _edge_plan(dst)
    ssrt = _pad_chunk(src[perm].astype(jnp.int32))

    hW = x @ W1
    h = hW.reshape(N, 2, HID)
    alpha_s = jnp.sum(h * att_src1[None, :, :], axis=-1)
    alpha_d = jnp.sum(h * att_dst1[None, :, :], axis=-1)
    e = jax.nn.leaky_relu(alpha_s[src] + alpha_d[dst], negative_slope=0.2)
    m = jax.ops.segment_max(e, dst, num_segments=N)
    ex = jnp.exp(e - m[dst])
    s = jax.ops.segment_sum(ex, dst, num_segments=N)
    alpha = ex / (s[dst] + 1e-16)
    a_sorted = alpha[perm]
    hW2 = hW.reshape(2 * N, HID)
    agg0 = _sc_aggregate(hW2, _pad_chunk(a_sorted[:, 0]), 2 * ssrt, ld, bounds)[:N]
    agg1 = _sc_aggregate(hW2, _pad_chunk(a_sorted[:, 1]), 2 * ssrt + 1, ld, bounds)[:N]
    hcat = jnp.concatenate([agg0, agg1], axis=1) + b1

    mu1 = hcat.mean(axis=0, keepdims=True)
    var1 = hcat.var(axis=0, keepdims=True)
    hbn = (hcat - mu1) / jnp.sqrt(var1 + 1e-5) * g1 + be1
    hr = jax.nn.relu(hbn)

    hV = hr @ W2
    h2 = hV.reshape(N, 1, HID)
    alpha_s2 = jnp.sum(h2 * att_src2[None, :, :], axis=-1)
    alpha_d2 = jnp.sum(h2 * att_dst2[None, :, :], axis=-1)
    e2 = jax.nn.leaky_relu(alpha_s2[src] + alpha_d2[dst], negative_slope=0.2)
    m2 = jax.ops.segment_max(e2, dst, num_segments=N)
    ex2 = jnp.exp(e2 - m2[dst])
    s2 = jax.ops.segment_sum(ex2, dst, num_segments=N)
    alpha2 = ex2 / (s2[dst] + 1e-16)
    a2_sorted = alpha2[perm][:, 0]
    agg2 = _sc_aggregate(hV, _pad_chunk(a2_sorted), ssrt, ld, bounds)[:N]
    ho2 = agg2[:, None, :].mean(axis=1) + b2

    mu2 = ho2.mean(axis=0, keepdims=True)
    var2 = ho2.var(axis=0, keepdims=True)
    y = (ho2 - mu2) / jnp.sqrt(var2 + 1e-5) * g2 + be2
    out = y.mean(axis=0, keepdims=True)
    return out

# --- scband reference (transcript-rebuilt; emitter-appended) ---
"""Pipeline reference for scband-gnnencoder-24601572671758 (READ-ONLY COPY).

The authoritative reference and input builder live on the scoring server;
editing this copy changes nothing except your own understanding.
"""

import jax, jax.numpy as jnp
import numpy as np

N = 10000
E = 160000
D_IN = 256
HID = 256

def setup_inputs(seed: int = 0) -> dict:
    key = jax.random.key(seed)
    ks = jax.random.split(key, 16)
    x = jax.random.normal(ks[0], (N, D_IN), dtype=jnp.float32)
    edge_index = jax.random.randint(ks[1], (2, E), 0, N, dtype=jnp.int64)
    # conv1: heads=2, concat=True
    W1 = jax.random.normal(ks[2], (D_IN, 2 * HID), dtype=jnp.float32) * 0.05
    att_src1 = jax.random.normal(ks[3], (2, HID), dtype=jnp.float32) * 0.05
    att_dst1 = jax.random.normal(ks[4], (2, HID), dtype=jnp.float32) * 0.05
    b1 = jnp.zeros((2 * HID,), dtype=jnp.float32)
    g1 = jnp.ones((2 * HID,), dtype=jnp.float32)
    be1 = jnp.zeros((2 * HID,), dtype=jnp.float32)
    # conv2: heads=1, concat=False
    W2 = jax.random.normal(ks[5], (2 * HID, HID), dtype=jnp.float32) * 0.05
    att_src2 = jax.random.normal(ks[6], (1, HID), dtype=jnp.float32) * 0.05
    att_dst2 = jax.random.normal(ks[7], (1, HID), dtype=jnp.float32) * 0.05
    b2 = jnp.zeros((HID,), dtype=jnp.float32)
    g2 = jnp.ones((HID,), dtype=jnp.float32)
    be2 = jnp.zeros((HID,), dtype=jnp.float32)
    return {"x": x, "edge_index": edge_index, "W1": W1, "att_src1": att_src1,
            "att_dst1": att_dst1, "b1": b1, "g1": g1, "be1": be1,
            "W2": W2, "att_src2": att_src2, "att_dst2": att_dst2, "b2": b2,
            "g2": g2, "be2": be2}

def _gat_conv(x, W, a_src, a_dst, b, src, dst, heads, out_ch, concat):
    n = x.shape[0]
    h = (x @ W).reshape(n, heads, out_ch)
    alpha_s = jnp.sum(h * a_src[None, :, :], axis=-1)  # [N, heads]
    alpha_d = jnp.sum(h * a_dst[None, :, :], axis=-1)
    e = jax.nn.leaky_relu(alpha_s[src] + alpha_d[dst], negative_slope=0.2)  # [E, heads]
    m = jax.ops.segment_max(e, dst, num_segments=n)
    ex = jnp.exp(e - m[dst])
    s = jax.ops.segment_sum(ex, dst, num_segments=n)
    alpha = ex / (s[dst] + 1e-16)
    out = jax.ops.segment_sum(alpha[:, :, None] * h[src], dst, num_segments=n)
    if concat:
        out = out.reshape(n, heads * out_ch)
    else:
        out = out.mean(axis=1)
    return out + b

def _batch_norm(x, gamma, beta):
    mu = x.mean(axis=0, keepdims=True)
    var = x.var(axis=0, keepdims=True)
    return (x - mu) / jnp.sqrt(var + 1e-5) * gamma + beta

def reference(x, edge_index, W1, att_src1, att_dst1, b1, g1, be1,
              W2, att_src2, att_dst2, b2, g2, be2):
    src = edge_index[0]
    dst = edge_index[1]
    h = _gat_conv(x, W1, att_src1, att_dst1, b1, src, dst, 2, HID, True)
    h = _batch_norm(h, g1, be1)
    h = jax.nn.relu(h)
    # dropout is identity in eval / deterministic reference
    h = _gat_conv(h, W2, att_src2, att_dst2, b2, src, dst, 1, HID, False)
    h = _batch_norm(h, g2, be2)
    out = h.mean(axis=0, keepdims=True)
    return out

if __name__ == "__main__":
    import jax
    _d = setup_inputs()
    print(jax.jit(kernel)(*tuple(_d.values())))

</pallas_src>

<mosaic_0001>
#map = affine_map<(d0, d1) -> (0, 0)>
#map1 = affine_map<(d0, d1) -> (0)>
module attributes {stable_mosaic.version = 14 : i64} {
  func.func @_agg_body(%arg0: i32, %arg1: i32, %arg2: memref<20000x256xf32, #tpu.memory_space<hbm>>, %arg3: memref<160128xf32, #tpu.memory_space<hbm>>, %arg4: memref<160128xi32, #tpu.memory_space<hbm>>, %arg5: memref<160128xi32, #tpu.memory_space<hbm>>, %arg6: memref<40xi32, #tpu.memory_space<hbm>>, %arg7: memref<10240x256xf32, #tpu.memory_space<hbm>>, %arg8: memref<56xi32, #tpu.memory_space<vmem>>, %arg9: memref<128xi32, #tpu.memory_space<vmem>>, %arg10: memref<144xf32, #tpu.memory_space<vmem>>, %arg11: memref<144xi32, #tpu.memory_space<vmem>>, %arg12: memref<128x256xf32, #tpu.memory_space<vmem>>, %arg13: memref<320x256xf32, #tpu.memory_space<vmem>>, %arg14: memref<!tpu.dma_semaphore, #tpu.memory_space<semaphore_mem>>) attributes {dimension_semantics = [#tpu.dimension_semantics<core_parallel>, #tpu.dimension_semantics<subcore_parallel>], iteration_bounds = array<i64: 2, 16>, scalar_prefetch = 0 : i64, scratch_operands = 7 : i64, tpu.core_type = #tpu.core_type<sc_vector_subcore>, window_params = [{transform_indices = #map}, {transform_indices = #map1}, {transform_indices = #map1}, {transform_indices = #map1}, {transform_indices = #map1}, {transform_indices = #map}]} {
    %mul3A = arith.constant 2 : i32
    %mul3A_0 = arith.muli %arg1, %mul3A : i32
    %add3A = arith.addi %mul3A_0, %arg0 : i32
    %mul3A_1 = arith.constant 320 : i32
    %mul3A_2 = arith.muli %add3A, %mul3A_1 : i32
    %broadcast_in_dim3A = arith.constant 0.000000e+00 : f32
    %broadcast_in_dim3A_3 = vector.broadcast %broadcast_in_dim3A : f32 to vector<16xf32>
    %scan3A = arith.constant 0 : i32
    %scan3A_4 = arith.constant 0 : i32
    %scan3A_5 = arith.constant 320 : i32
    %scan3A_6 = arith.addi %scan3A_4, %scan3A_5 : i32
    %scan3A_7 = arith.constant 1 : i32
    %scan3A_8 = scf.for %scan3A_77 = %scan3A_4 to %scan3A_6 step %scan3A_7 iter_args(%scan3A_78 = %scan3A) -> (i32)  : i32 {
      %scan3A_79 = arith.constant 0 : i32
      %scan3A_80 = arith.constant 0 : i32
      %scan3A_81 = arith.constant 16 : i32
      %scan3A_82 = arith.addi %scan3A_80, %scan3A_81 : i32
      %scan3A_83 = arith.constant 1 : i32
      %scan3A_84 = scf.for %scan3A_86 = %scan3A_80 to %scan3A_82 step %scan3A_83 iter_args(%scan3A_87 = %scan3A_79) -> (i32)  : i32 {
        %mul3A_88 = arith.constant 16 : i32
        %mul3A_89 = arith.muli %scan3A_86, %mul3A_88 : i32
        %swap3A = arith.index_cast %scan3A_77 : i32 to index
        %swap3A_90 = arith.index_cast %mul3A_89 : i32 to index
        %swap3A_91 = tpu.vector_load %arg13[%swap3A, %swap3A_90] {strides = array<i32>} : memref<320x256xf32, #tpu.memory_space<vmem>>, vector<1x16xf32>,
        %swap3A_92 = vector.shape_cast %swap3A_91 : vector<1x16xf32> to vector<16xf32>
        %swap3A_93 = vector.shape_cast %broadcast_in_dim3A_3 : vector<16xf32> to vector<1x16xf32>
        tpu.vector_store %arg13[%swap3A, %swap3A_90], %swap3A_93 {strides = array<i32>} : memref<320x256xf32, #tpu.memory_space<vmem>>, vector<1x16xf32>,
        %scan3A_94 = arith.constant 0 : i32
        scf.yield %scan3A_94 : i32
      }
      %scan3A_85 = arith.constant 16 : i32
      scf.yield %scan3A_84 : i32
    }
    %scan3A_9 = arith.constant 320 : i32
    "tpu.region"() ({
      %run_scoped3A = tpu.sem_alloc : memref<!tpu.dma_semaphore, #tpu.memory_space<semaphore_mem>>
      %dma_start3A = arith.constant 0 : i32
      %dma_start3A_77 = tpu.memref_slice %arg8[%dma_start3A] : memref<56xi32, #tpu.memory_space<vmem>> -> memref<40xi32, #tpu.memory_space<vmem>>
      %dma_start3A_78 = arith.constant 0 : i32
      %dma_start3A_79 = tpu.memref_slice %arg8[%dma_start3A_78] : memref<56xi32, #tpu.memory_space<vmem>> -> memref<40xi32, #tpu.memory_space<vmem>>
      tpu.enqueue_dma source(%arg6 : memref<40xi32, #tpu.memory_space<hbm>>) target(%dma_start3A_79 : memref<40xi32, #tpu.memory_space<vmem>>) target_semaphore(%run_scoped3A : memref<!tpu.dma_semaphore, #tpu.memory_space<semaphore_mem>>)
      %dma_wait3A = arith.constant 0 : i32
      %dma_wait3A_80 = tpu.memref_slice %arg8[%dma_wait3A] : memref<56xi32, #tpu.memory_space<vmem>> -> memref<40xi32, #tpu.memory_space<vmem>>
      %dma_wait3A_81 = arith.constant 0 : i32
      %dma_wait3A_82 = tpu.memref_slice %arg8[%dma_wait3A_81] : memref<56xi32, #tpu.memory_space<vmem>> -> memref<40xi32, #tpu.memory_space<vmem>>
      tpu.wait_dma2 semaphore(%run_scoped3A : memref<!tpu.dma_semaphore, #tpu.memory_space<semaphore_mem>>) src(%arg6 : memref<40xi32, #tpu.memory_space<hbm>>) dst(%dma_wait3A_82 : memref<40xi32, #tpu.memory_space<vmem>>)
      tpu.yield
    }) : () -> ()
    %get3A = arith.index_cast %add3A : i32 to index
    %get3A_10 = tpu.vector_load %arg8[%get3A] {strides = array<i32>} : memref<56xi32, #tpu.memory_space<vmem>>, vector<16xi32>,
    %get3A_11 = vector.shape_cast %get3A_10 : vector<16xi32> to vector<16xi32>
    %slice3A = vector.extract_strided_slice %get3A_11 {offsets = [0], sizes = [1], strides = [1]} : vector<16xi32> to vector<1xi32>
    %squeeze3A = vector.extract %slice3A[0] : i32 from vector<1xi32>
    %add3A_12 = arith.constant 1 : i32
    %add3A_13 = arith.addi %add3A, %add3A_12 : i32
    %get3A_14 = arith.index_cast %add3A_13 : i32 to index
    %get3A_15 = tpu.vector_load %arg8[%get3A_14] {strides = array<i32>} : memref<56xi32, #tpu.memory_space<vmem>>, vector<16xi32>,
    %get3A_16 = vector.shape_cast %get3A_15 : vector<16xi32> to vector<16xi32>
    %slice3A_17 = vector.extract_strided_slice %get3A_16 {offsets = [0], sizes = [1], strides = [1]} : vector<16xi32> to vector<1xi32>
    %squeeze3A_18 = vector.extract %slice3A_17[0] : i32 from vector<1xi32>
    %jit3A = arith.constant 8 : i32
    %div3A = arith.divsi %squeeze3A, %jit3A : i32
    %sign3A = arith.constant 0 : i32
    %sign3A_19 = arith.cmpi sgt, %squeeze3A, %sign3A : i32
    %sign3A_20 = arith.extui %sign3A_19 : i1 to i32
    %sign3A_21 = arith.constant 0 : i32
    %sign3A_22 = arith.cmpi slt, %squeeze3A, %sign3A_21 : i32
    %sign3A_23 = arith.extui %sign3A_22 : i1 to i32
    %sign3A_24 = arith.subi %sign3A_20, %sign3A_23 : i32
    %sign3A_25 = arith.constant 0 : i32
    %sign3A_26 = arith.cmpi sgt, %jit3A, %sign3A_25 : i32
    %sign3A_27 = arith.extui %sign3A_26 : i1 to i32
    %sign3A_28 = arith.constant 0 : i32
    %sign3A_29 = arith.cmpi slt, %jit3A, %sign3A_28 : i32
    %sign3A_30 = arith.extui %sign3A_29 : i1 to i32
    %sign3A_31 = arith.subi %sign3A_27, %sign3A_30 : i32
    %ne3A = arith.cmpi ne, %sign3A_24, %sign3A_31 : i32
    %rem3A = arith.remsi %squeeze3A, %jit3A : i32
    %ne3A_32 = arith.constant 0 : i32
    %ne3A_33 = arith.cmpi ne, %rem3A, %ne3A_32 : i32
    %and3A = arith.andi %ne3A, %ne3A_33 : i1
    %sub3A = arith.constant 1 : i32
    %sub3A_34 = arith.subi %div3A, %sub3A : i32
    %select_n3A = arith.select %and3A, %sub3A_34, %div3A : i32
    %mul3A_35 = arith.constant 8 : i32
    %mul3A_36 = arith.muli %select_n3A, %mul3A_35 : i32
    %sub3A_37 = arith.subi %squeeze3A_18, %mul3A_36 : i32
    %add3A_38 = arith.constant 128 : i32
    %add3A_39 = arith.addi %sub3A_37, %add3A_38 : i32
    %sub3A_40 = arith.constant 1 : i32
    %sub3A_41 = arith.subi %add3A_39, %sub3A_40 : i32
    %jit3A_42 = arith.constant 128 : i32
    %div3A_43 = arith.divsi %sub3A_41, %jit3A_42 : i32
    %sign3A_44 = arith.constant 0 : i32
    %sign3A_45 = arith.cmpi sgt, %sub3A_41, %sign3A_44 : i32
    %sign3A_46 = arith.extui %sign3A_45 : i1 to i32
    %sign3A_47 = arith.constant 0 : i32
    %sign3A_48 = arith.cmpi slt, %sub3A_41, %sign3A_47 : i32
    %sign3A_49 = arith.extui %sign3A_48 : i1 to i32
    %sign3A_50 = arith.subi %sign3A_46, %sign3A_49 : i32
    %sign3A_51 = arith.constant 0 : i32
    %sign3A_52 = arith.cmpi sgt, %jit3A_42, %sign3A_51 : i32
    %sign3A_53 = arith.extui %sign3A_52 : i1 to i32
    %sign3A_54 = arith.constant 0 : i32
    %sign3A_55 = arith.cmpi slt, %jit3A_42, %sign3A_54 : i32
    %sign3A_56 = arith.extui %sign3A_55 : i1 to i32
    %sign3A_57 = arith.subi %sign3A_53, %sign3A_56 : i32
    %ne3A_58 = arith.cmpi ne, %sign3A_50, %sign3A_57 : i32
    %rem3A_59 = arith.remsi %sub3A_41, %jit3A_42 : i32
    %ne3A_60 = arith.constant 0 : i32
    %ne3A_61 = arith.cmpi ne, %rem3A_59, %ne3A_60 : i32
    %and3A_62 = arith.andi %ne3A_58, %ne3A_61 : i1
    %sub3A_63 = arith.constant 1 : i32
    %sub3A_64 = arith.subi %div3A_43, %sub3A_63 : i32
    %select_n3A_65 = arith.select %and3A_62, %sub3A_64, %div3A_43 : i32
    %while3A = arith.constant 0 : i32
    %while3A_66 = arith.constant 0 : i32
    %while3A_67 = arith.subi %select_n3A_65, %while3A : i32
    %while3A_68 = arith.addi %while3A, %while3A_67 : i32
    %while3A_69 = arith.constant 1 : i32
    %while3A_70 = arith.divsi %while3A_67, %while3A_69 : i32
    %while3A_71 = arith.muli %while3A_70, %while3A_69 : i32
    %while3A_72 = arith.addi %while3A, %while3A_71 : i32
    %while3A_73 = arith.constant 1 : i32
    %while3A_74 = scf.for %while3A_77 = %while3A to %while3A_72 step %while3A_73 iter_args(%while3A_78 = %while3A_66) -> (i32)  : i32 {
      %mul3A_79 = arith.constant 128 : i32
      %mul3A_80 = arith.muli %while3A_77, %mul3A_79 : i32
      %add3A_81 = arith.addi %mul3A_36, %mul3A_80 : i32
      "tpu.region"() ({
        %run_scoped3A = tpu.sem_alloc : memref<!tpu.dma_semaphore, #tpu.memory_space<semaphore_mem>>
        %dma_start3A_100 = tpu.memref_slice %arg4[%add3A_81] : memref<160128xi32, #tpu.memory_space<hbm>> -> memref<128xi32, #tpu.memory_space<hbm>>
        %dma_start3A_101 = tpu.memref_slice %arg4[%add3A_81] : memref<160128xi32, #tpu.memory_space<hbm>> -> memref<128xi32, #tpu.memory_space<hbm>>
        tpu.enqueue_dma source(%dma_start3A_101 : memref<128xi32, #tpu.memory_space<hbm>>) target(%arg9 : memref<128xi32, #tpu.memory_space<vmem>>) target_semaphore(%run_scoped3A : memref<!tpu.dma_semaphore, #tpu.memory_space<semaphore_mem>>)
        %dma_wait3A_102 = tpu.memref_slice %arg4[%add3A_81] : memref<160128xi32, #tpu.memory_space<hbm>> -> memref<128xi32, #tpu.memory_space<hbm>>
        %dma_wait3A_103 = tpu.memref_slice %arg4[%add3A_81] : memref<160128xi32, #tpu.memory_space<hbm>> -> memref<128xi32, #tpu.memory_space<hbm>>
        tpu.wait_dma2 semaphore(%run_scoped3A : memref<!tpu.dma_semaphore, #tpu.memory_space<semaphore_mem>>) src(%dma_wait3A_103 : memref<128xi32, #tpu.memory_space<hbm>>) dst(%arg9 : memref<128xi32, #tpu.memory_space<vmem>>)
        tpu.yield
      }) : () -> ()
      "tpu.region"() ({
        %run_scoped3A = tpu.sem_alloc : memref<!tpu.dma_semaphore, #tpu.memory_space<semaphore_mem>>
        %dma_start3A_100 = arith.constant 0 : i32
        %dma_start3A_101 = tpu.memref_slice %arg10[%dma_start3A_100] : memref<144xf32, #tpu.memory_space<vmem>> -> memref<128xf32, #tpu.memory_space<vmem>>
        %dma_start3A_102 = tpu.memref_slice %arg3[%add3A_81] : memref<160128xf32, #tpu.memory_space<hbm>> -> memref<128xf32, #tpu.memory_space<hbm>>
        %dma_start3A_103 = arith.constant 0 : i32
        %dma_start3A_104 = tpu.memref_slice %arg10[%dma_start3A_103] : memref<144xf32, #tpu.memory_space<vmem>> -> memref<128xf32, #tpu.memory_space<vmem>>
        %dma_start3A_105 = tpu.memref_slice %arg3[%add3A_81] : memref<160128xf32, #tpu.memory_space<hbm>> -> memref<128xf32, #tpu.memory_space<hbm>>
        tpu.enqueue_dma source(%dma_start3A_105 : memref<128xf32, #tpu.memory_space<hbm>>) target(%dma_start3A_104 : memref<128xf32, #tpu.memory_space<vmem>>) target_semaphore(%run_scoped3A : memref<!tpu.dma_semaphore, #tpu.memory_space<semaphore_mem>>)
        %dma_wait3A_106 = arith.constant 0 : i32
        %dma_wait3A_107 = tpu.memref_slice %arg10[%dma_wait3A_106] : memref<144xf32, #tpu.memory_space<vmem>> -> memref<128xf32, #tpu.memory_space<vmem>>
        %dma_wait3A_108 = tpu.memref_slice %arg3[%add3A_81] : memref<160128xf32, #tpu.memory_space<hbm>> -> memref<128xf32, #tpu.memory_space<hbm>>
        %dma_wait3A_109 = arith.constant 0 : i32
        %dma_wait3A_110 = tpu.memref_slice %arg10[%dma_wait3A_109] : memref<144xf32, #tpu.memory_space<vmem>> -> memref<128xf32, #tpu.memory_space<vmem>>
        %dma_wait3A_111 = tpu.memref_slice %arg3[%add3A_81] : memref<160128xf32, #tpu.memory_space<hbm>> -> memref<128xf32, #tpu.memory_space<hbm>>
        tpu.wait_dma2 semaphore(%run_scoped3A : memref<!tpu.dma_semaphore, #tpu.memory_space<semaphore_mem>>) src(%dma_wait3A_111 : memref<128xf32, #tpu.memory_space<hbm>>) dst(%dma_wait3A_110 : memref<128xf32, #tpu.memory_space<vmem>>)
        tpu.yield
      }) : () -> ()
      "tpu.region"() ({
        %run_scoped3A = tpu.sem_alloc : memref<!tpu.dma_semaphore, #tpu.memory_space<semaphore_mem>>
        %dma_start3A_100 = arith.constant 0 : i32
        %dma_start3A_101 = tpu.memref_slice %arg11[%dma_start3A_100] : memref<144xi32, #tpu.memory_space<vmem>> -> memref<128xi32, #tpu.memory_space<vmem>>
        %dma_start3A_102 = tpu.memref_slice %arg5[%add3A_81] : memref<160128xi32, #tpu.memory_space<hbm>> -> memref<128xi32, #tpu.memory_space<hbm>>
        %dma_start3A_103 = arith.constant 0 : i32
        %dma_start3A_104 = tpu.memref_slice %arg11[%dma_start3A_103] : memref<144xi32, #tpu.memory_space<vmem>> -> memref<128xi32, #tpu.memory_space<vmem>>
        %dma_start3A_105 = tpu.memref_slice %arg5[%add3A_81] : memref<160128xi32, #tpu.memory_space<hbm>> -> memref<128xi32, #tpu.memory_space<hbm>>
        tpu.enqueue_dma source(%dma_start3A_105 : memref<128xi32, #tpu.memory_space<hbm>>) target(%dma_start3A_104 : memref<128xi32, #tpu.memory_space<vmem>>) target_semaphore(%run_scoped3A : memref<!tpu.dma_semaphore, #tpu.memory_space<semaphore_mem>>)
        %dma_wait3A_106 = arith.constant 0 : i32
        %dma_wait3A_107 = tpu.memref_slice %arg11[%dma_wait3A_106] : memref<144xi32, #tpu.memory_space<vmem>> -> memref<128xi32, #tpu.memory_space<vmem>>
        %dma_wait3A_108 = tpu.memref_slice %arg5[%add3A_81] : memref<160128xi32, #tpu.memory_space<hbm>> -> memref<128xi32, #tpu.memory_space<hbm>>
        %dma_wait3A_109 = arith.constant 0 : i32
        %dma_wait3A_110 = tpu.memref_slice %arg11[%dma_wait3A_109] : memref<144xi32, #tpu.memory_space<vmem>> -> memref<128xi32, #tpu.memory_space<vmem>>
        %dma_wait3A_111 = tpu.memref_slice %arg5[%add3A_81] : memref<160128xi32, #tpu.memory_space<hbm>> -> memref<128xi32, #tpu.memory_space<hbm>>
        tpu.wait_dma2 semaphore(%run_scoped3A : memref<!tpu.dma_semaphore, #tpu.memory_space<semaphore_mem>>) src(%dma_wait3A_111 : memref<128xi32, #tpu.memory_space<hbm>>) dst(%dma_wait3A_110 : memref<128xi32, #tpu.memory_space<vmem>>)
        tpu.yield
      }) : () -> ()
      %dma_start3A = arith.constant 0 : i32
      %dma_start3A_82 = arith.constant 0 : i32
      %dma_start3A_83 = tpu.memref_slice %arg2[%dma_start3A, %dma_start3A_82] : memref<20000x256xf32, #tpu.memory_space<hbm>> -> memref<20000x256xf32, #tpu.memory_space<hbm>>
      tpu.enqueue_indirect_dma source(%dma_start3A_83 : memref<20000x256xf32, #tpu.memory_space<hbm>>) target(%arg12 : memref<128x256xf32, #tpu.memory_space<vmem>>) offsets(%arg9 : memref<128xi32, #tpu.memory_space<vmem>>) semaphore(%arg14 : memref<!tpu.dma_semaphore, #tpu.memory_space<semaphore_mem>>)
      %dma_wait3A = arith.constant 0 : i32
      %dma_wait3A_84 = arith.constant 0 : i32
      %dma_wait3A_85 = tpu.memref_slice %arg2[%dma_wait3A, %dma_wait3A_84] : memref<20000x256xf32, #tpu.memory_space<hbm>> -> memref<20000x256xf32, #tpu.memory_space<hbm>>
      tpu.wait_indirect_dma semaphore(%arg14 : memref<!tpu.dma_semaphore, #tpu.memory_space<semaphore_mem>>) src(%dma_wait3A_85 : memref<20000x256xf32, #tpu.memory_space<hbm>>) dst(%arg12 : memref<128x256xf32, #tpu.memory_space<vmem>>)
      %max3A = arith.maxsi %squeeze3A, %add3A_81 : i32
      %add3A_86 = arith.constant 128 : i32
      %add3A_87 = arith.addi %add3A_81, %add3A_86 : i32
      %min3A = arith.minsi %squeeze3A_18, %add3A_87 : i32
      %while3A_88 = arith.constant 0 : i32
      %while3A_89 = arith.subi %min3A, %max3A : i32
      %while3A_90 = arith.addi %max3A, %while3A_89 : i32
      %while3A_91 = arith.constant 1 : i32
      %while3A_92 = arith.divsi %while3A_89, %while3A_91 : i32
      %while3A_93 = arith.muli %while3A_92, %while3A_91 : i32
      %while3A_94 = arith.addi %max3A, %while3A_93 : i32
      %while3A_95 = arith.constant 1 : i32
      %while3A_96 = scf.for %while3A_100 = %max3A to %while3A_94 step %while3A_95 iter_args(%while3A_101 = %while3A_88) -> (i32)  : i32 {
        %sub3A_102 = arith.subi %while3A_100, %add3A_81 : i32
        %get3A_103 = arith.index_cast %sub3A_102 : i32 to index
        %get3A_104 = tpu.vector_load %arg10[%get3A_103] {strides = array<i32>} : memref<144xf32, #tpu.memory_space<vmem>>, vector<16xf32>,
        %get3A_105 = vector.shape_cast %get3A_104 : vector<16xf32> to vector<16xf32>
        %slice3A_106 = vector.extract_strided_slice %get3A_105 {offsets = [0], sizes = [1], strides = [1]} : vector<16xf32> to vector<1xf32>
        %squeeze3A_107 = vector.extract %slice3A_106[0] : f32 from vector<1xf32>
        %get3A_108 = arith.index_cast %sub3A_102 : i32 to index
        %get3A_109 = tpu.vector_load %arg11[%get3A_108] {strides = array<i32>} : memref<144xi32, #tpu.memory_space<vmem>>, vector<16xi32>,
        %get3A_110 = vector.shape_cast %get3A_109 : vector<16xi32> to vector<16xi32>
        %slice3A_111 = vector.extract_strided_slice %get3A_110 {offsets = [0], sizes = [1], strides = [1]} : vector<16xi32> to vector<1xi32>
        %squeeze3A_112 = vector.extract %slice3A_111[0] : i32 from vector<1xi32>
        %get3A_113 = arith.index_cast %sub3A_102 : i32 to index
        %get3A_114 = arith.constant 0 : index
        %get3A_115 = tpu.vector_load %arg12[%get3A_113, %get3A_114] {strides = array<i32>} : memref<128x256xf32, #tpu.memory_space<vmem>>, vector<1x16xf32>,
        %get3A_116 = vector.shape_cast %get3A_115 : vector<1x16xf32> to vector<16xf32>
        %mul3A_117 = vector.broadcast %squeeze3A_107 : f32 to vector<16xf32>
        %mul3A_118 = arith.mulf %mul3A_117, %get3A_116 : vector<16xf32>
        %swap3A = arith.index_cast %squeeze3A_112 : i32 to index
        %swap3A_119 = arith.constant 0 : index
        %swap3A_120 = tpu.vector_load %arg13[%swap3A, %swap3A_119] {strides = array<i32>} : memref<320x256xf32, #tpu.memory_space<vmem>>, vector<1x16xf32>,
        %swap3A_121 = vector.shape_cast %swap3A_120 : vector<1x16xf32> to vector<16xf32>
        %swap3A_122 = vector.shape_cast %mul3A_118 : vector<16xf32> to vector<1x16xf32>
        tpu.vector_store %arg13[%swap3A, %swap3A_119], %swap3A_122 {add = true, strides = array<i32>} : memref<320x256xf32, #tpu.memory_space<vmem>>, vector<1x16xf32>,
        %get3A_123 = arith.index_cast %sub3A_102 : i32 to index
        %get3A_124 = arith.constant 16 : index
        %get3A_125 = tpu.vector_load %arg12[%get3A_123, %get3A_124] {strides = array<i32>} : memref<128x256xf32, #tpu.memory_space<vmem>>, vector<1x16xf32>,
        %get3A_126 = vector.shape_cast %get3A_125 : vector<1x16xf32> to vector<16xf32>
        %mul3A_127 = vector.broadcast %squeeze3A_107 : f32 to vector<16xf32>
        %mul3A_128 = arith.mulf %mul3A_127, %get3A_126 : vector<16xf32>
        %swap3A_129 = arith.index_cast %squeeze3A_112 : i32 to index
        %swap3A_130 = arith.constant 16 : index
        %swap3A_131 = tpu.vector_load %arg13[%swap3A_129, %swap3A_130] {strides = array<i32>} : memref<320x256xf32, #tpu.memory_space<vmem>>, vector<1x16xf32>,
        %swap3A_132 = vector.shape_cast %swap3A_131 : vector<1x16xf32> to vector<16xf32>
        %swap3A_133 = vector.shape_cast %mul3A_128 : vector<16xf32> to vector<1x16xf32>
        tpu.vector_store %arg13[%swap3A_129, %swap3A_130], %swap3A_133 {add = true, strides = array<i32>} : memref<320x256xf32, #tpu.memory_space<vmem>>, vector<1x16xf32>,
        %get3A_134 = arith.index_cast %sub3A_102 : i32 to index
        %get3A_135 = arith.constant 32 : index
        %get3A_136 = tpu.vector_load %arg12[%get3A_134, %get3A_135] {strides = array<i32>} : memref<128x256xf32, #tpu.memory_space<vmem>>, vector<1x16xf32>,
        %get3A_137 = vector.shape_cast %get3A_136 : vector<1x16xf32> to vector<16xf32>
        %mul3A_138 = vector.broadcast %squeeze3A_107 : f32 to vector<16xf32>
        %mul3A_139 = arith.mulf %mul3A_138, %get3A_137 : vector<16xf32>
        %swap3A_140 = arith.index_cast %squeeze3A_112 : i32 to index
        %swap3A_141 = arith.constant 32 : index
        %swap3A_142 = tpu.vector_load %arg13[%swap3A_140, %swap3A_141] {strides = array<i32>} : memref<320x256xf32, #tpu.memory_space<vmem>>, vector<1x16xf32>,
        %swap3A_143 = vector.shape_cast %swap3A_142 : vector<1x16xf32> to vector<16xf32>
        %swap3A_144 = vector.shape_cast %mul3A_139 : vector<16xf32> to vector<1x16xf32>
        tpu.vector_store %arg13[%swap3A_140, %swap3A_141], %swap3A_144 {add = true, strides = array<i32>} : memref<320x256xf32, #tpu.memory_space<vmem>>, vector<1x16xf32>,
        %get3A_145 = arith.index_cast %sub3A_102 : i32 to index
        %get3A_146 = arith.constant 48 : index
        %get3A_147 = tpu.vector_load %arg12[%get3A_145, %get3A_146] {strides = array<i32>} : memref<128x256xf32, #tpu.memory_space<vmem>>, vector<1x16xf32>,
        %get3A_148 = vector.shape_cast %get3A_147 : vector<1x16xf32> to vector<16xf32>
        %mul3A_149 = vector.broadcast %squeeze3A_107 : f32 to vector<16xf32>
        %mul3A_150 = arith.mulf %mul3A_149, %get3A_148 : vector<16xf32>
        %swap3A_151 = arith.index_cast %squeeze3A_112 : i32 to index
        %swap3A_152 = arith.constant 48 : index
        %swap3A_153 = tpu.vector_load %arg13[%swap3A_151, %swap3A_152] {strides = array<i32>} : memref<320x256xf32, #tpu.memory_space<vmem>>, vector<1x16xf32>,
        %swap3A_154 = vector.shape_cast %swap3A_153 : vector<1x16xf32> to vector<16xf32>
        %swap3A_155 = vector.shape_cast %mul3A_150 : vector<16xf32> to vector<1x16xf32>
        tpu.vector_store %arg13[%swap3A_151, %swap3A_152], %swap3A_155 {add = true, strides = array<i32>} : memref<320x256xf32, #tpu.memory_space<vmem>>, vector<1x16xf32>,
        %get3A_156 = arith.index_cast %sub3A_102 : i32 to index
        %get3A_157 = arith.constant 64 : index
        %get3A_158 = tpu.vector_load %arg12[%get3A_156, %get3A_157] {strides = array<i32>} : memref<128x256xf32, #tpu.memory_space<vmem>>, vector<1x16xf32>,
        %get3A_159 = vector.shape_cast %get3A_158 : vector<1x16xf32> to vector<16xf32>
        %mul3A_160 = vector.broadcast %squeeze3A_107 : f32 to vector<16xf32>
        %mul3A_161 = arith.mulf %mul3A_160, %get3A_159 : vector<16xf32>
        %swap3A_162 = arith.index_cast %squeeze3A_112 : i32 to index
        %swap3A_163 = arith.constant 64 : index
        %swap3A_164 = tpu.vector_load %arg13[%swap3A_162, %swap3A_163] {strides = array<i32>} : memref<320x256xf32, #tpu.memory_space<vmem>>, vector<1x16xf32>,
        %swap3A_165 = vector.shape_cast %swap3A_164 : vector<1x16xf32> to vector<16xf32>
        %swap3A_166 = vector.shape_cast %mul3A_161 : vector<16xf32> to vector<1x16xf32>
        tpu.vector_store %arg13[%swap3A_162, %swap3A_163], %swap3A_166 {add = true, strides = array<i32>} : memref<320x256xf32, #tpu.memory_space<vmem>>, vector<1x16xf32>,
        %get3A_167 = arith.index_cast %sub3A_102 : i32 to index
        %get3A_168 = arith.constant 80 : index
        %get3A_169 = tpu.vector_load %arg12[%get3A_167, %get3A_168] {strides = array<i32>} : memref<128x256xf32, #tpu.memory_space<vmem>>, vector<1x16xf32>,
        %get3A_170 = vector.shape_cast %get3A_169 : vector<1x16xf32> to vector<16xf32>
        %mul3A_171 = vector.broadcast %squeeze3A_107 : f32 to vector<16xf32>
        %mul3A_172 = arith.mulf %mul3A_171, %get3A_170 : vector<16xf32>
        %swap3A_173 = arith.index_cast %squeeze3A_112 : i32 to index
        %swap3A_174 = arith.constant 80 : index
        %swap3A_175 = tpu.vector_load %arg13[%swap3A_173, %swap3A_174] {strides = array<i32>} : memref<320x256xf32, #tpu.memory_space<vmem>>, vector<1x16xf32>,
        %swap3A_176 = vector.shape_cast %swap3A_175 : vector<1x16xf32> to vector<16xf32>
        %swap3A_177 = vector.shape_cast %mul3A_172 : vector<16xf32> to vector<1x16xf32>
        tpu.vector_store %arg13[%swap3A_173, %swap3A_174], %swap3A_177 {add = true, strides = array<i32>} : memref<320x256xf32, #tpu.memory_space<vmem>>, vector<1x16xf32>,
        %get3A_178 = arith.index_cast %sub3A_102 : i32 to index
        %get3A_179 = arith.constant 96 : index
        %get3A_180 = tpu.vector_load %arg12[%get3A_178, %get3A_179] {strides = array<i32>} : memref<128x256xf32, #tpu.memory_space<vmem>>, vector<1x16xf32>,
        %get3A_181 = vector.shape_cast %get3A_180 : vector<1x16xf32> to vector<16xf32>
        %mul3A_182 = vector.broadcast %squeeze3A_107 : f32 to vector<16xf32>
        %mul3A_183 = arith.mulf %mul3A_182, %get3A_181 : vector<16xf32>
        %swap3A_184 = arith.index_cast %squeeze3A_112 : i32 to index
        %swap3A_185 = arith.constant 96 : index
        %swap3A_186 = tpu.vector_load %arg13[%swap3A_184, %swap3A_185] {strides = array<i32>} : memref<320x256xf32, #tpu.memory_space<vmem>>, vector<1x16xf32>,
        %swap3A_187 = vector.shape_cast %swap3A_186 : vector<1x16xf32> to vector<16xf32>
        %swap3A_188 = vector.shape_cast %mul3A_183 : vector<16xf32> to vector<1x16xf32>
        tpu.vector_store %arg13[%swap3A_184, %swap3A_185], %swap3A_188 {add = true, strides = array<i32>} : memref<320x256xf32, #tpu.memory_space<vmem>>, vector<1x16xf32>,
        %get3A_189 = arith.index_cast %sub3A_102 : i32 to index
        %get3A_190 = arith.constant 112 : index
        %get3A_191 = tpu.vector_load %arg12[%get3A_189, %get3A_190] {strides = array<i32>} : memref<128x256xf32, #tpu.memory_space<vmem>>, vector<1x16xf32>,
        %get3A_192 = vector.shape_cast %get3A_191 : vector<1x16xf32> to vector<16xf32>
        %mul3A_193 = vector.broadcast %squeeze3A_107 : f32 to vector<16xf32>
        %mul3A_194 = arith.mulf %mul3A_193, %get3A_192 : vector<16xf32>
        %swap3A_195 = arith.index_cast %squeeze3A_112 : i32 to index
        %swap3A_196 = arith.constant 112 : index
        %swap3A_197 = tpu.vector_load %arg13[%swap3A_195, %swap3A_196] {strides = array<i32>} : memref<320x256xf32, #tpu.memory_space<vmem>>, vector<1x16xf32>,
        %swap3A_198 = vector.shape_cast %swap3A_197 : vector<1x16xf32> to vector<16xf32>
        %swap3A_199 = vector.shape_cast %mul3A_194 : vector<16xf32> to vector<1x16xf32>
        tpu.vector_store %arg13[%swap3A_195, %swap3A_196], %swap3A_199 {add = true, strides = array<i32>} : memref<320x256xf32, #tpu.memory_space<vmem>>, vector<1x16xf32>,
        %get3A_200 = arith.index_cast %sub3A_102 : i32 to index
        %get3A_201 = arith.constant 128 : index
        %get3A_202 = tpu.vector_load %arg12[%get3A_200, %get3A_201] {strides = array<i32>} : memref<128x256xf32, #tpu.memory_space<vmem>>, vector<1x16xf32>,
        %get3A_203 = vector.shape_cast %get3A_202 : vector<1x16xf32> to vector<16xf32>
        %mul3A_204 = vector.broadcast %squeeze3A_107 : f32 to vector<16xf32>
        %mul3A_205 = arith.mulf %mul3A_204, %get3A_203 : vector<16xf32>
        %swap3A_206 = arith.index_cast %squeeze3A_112 : i32 to index
        %swap3A_207 = arith.constant 128 : index
        %swap3A_208 = tpu.vector_load %arg13[%swap3A_206, %swap3A_207] {strides = array<i32>} : memref<320x256xf32, #tpu.memory_space<vmem>>, vector<1x16xf32>,
        %swap3A_209 = vector.shape_cast %swap3A_208 : vector<1x16xf32> to vector<16xf32>
        %swap3A_210 = vector.shape_cast %mul3A_205 : vector<16xf32> to vector<1x16xf32>
        tpu.vector_store %arg13[%swap3A_206, %swap3A_207], %swap3A_210 {add = true, strides = array<i32>} : memref<320x256xf32, #tpu.memory_space<vmem>>, vector<1x16xf32>,
        %get3A_211 = arith.index_cast %sub3A_102 : i32 to index
        %get3A_212 = arith.constant 144 : index
        %get3A_213 = tpu.vector_load %arg12[%get3A_211, %get3A_212] {strides = array<i32>} : memref<128x256xf32, #tpu.memory_space<vmem>>, vector<1x16xf32>,
        %get3A_214 = vector.shape_cast %get3A_213 : vector<1x16xf32> to vector<16xf32>
        %mul3A_215 = vector.broadcast %squeeze3A_107 : f32 to vector<16xf32>
        %mul3A_216 = arith.mulf %mul3A_215, %get3A_214 : vector<16xf32>
        %swap3A_217 = arith.index_cast %squeeze3A_112 : i32 to index
        %swap3A_218 = arith.constant 144 : index
        %swap3A_219 = tpu.vector_load %arg13[%swap3A_217, %swap3A_218] {strides = array<i32>} : memref<320x256xf32, #tpu.memory_space<vmem>>, vector<1x16xf32>,
        %swap3A_220 = vector.shape_cast %swap3A_219 : vector<1x16xf32> to vector<16xf32>
        %swap3A_221 = vector.shape_cast %mul3A_216 : vector<16xf32> to vector<1x16xf32>
        tpu.vector_store %arg13[%swap3A_217, %swap3A_218], %swap3A_221 {add = true, strides = array<i32>} : memref<320x256xf32, #tpu.memory_space<vmem>>, vector<1x16xf32>,
        %get3A_222 = arith.index_cast %sub3A_102 : i32 to index
        %get3A_223 = arith.constant 160 : index
        %get3A_224 = tpu.vector_load %arg12[%get3A_222, %get3A_223] {strides = array<i32>} : memref<128x256xf32, #tpu.memory_space<vmem>>, vector<1x16xf32>,
        %get3A_225 = vector.shape_cast %get3A_224 : vector<1x16xf32> to vector<16xf32>
        %mul3A_226 = vector.broadcast %squeeze3A_107 : f32 to vector<16xf32>
        %mul3A_227 = arith.mulf %mul3A_226, %get3A_225 : vector<16xf32>
        %swap3A_228 = arith.index_cast %squeeze3A_112 : i32 to index
        %swap3A_229 = arith.constant 160 : index
        %swap3A_230 = tpu.vector_load %arg13[%swap3A_228, %swap3A_229] {strides = array<i32>} : memref<320x256xf32, #tpu.memory_space<vmem>>, vector<1x16xf32>,
        %swap3A_231 = vector.shape_cast %swap3A_230 : vector<1x16xf32> to vector<16xf32>
        %swap3A_232 = vector.shape_cast %mul3A_227 : vector<16xf32> to vector<1x16xf32>
        tpu.vector_store %arg13[%swap3A_228, %swap3A_229], %swap3A_232 {add = true, strides = array<i32>} : memref<320x256xf32, #tpu.memory_space<vmem>>, vector<1x16xf32>,
        %get3A_233 = arith.index_cast %sub3A_102 : i32 to index
        %get3A_234 = arith.constant 176 : index
        %get3A_235 = tpu.vector_load %arg12[%get3A_233, %get3A_234] {strides = array<i32>} : memref<128x256xf32, #tpu.memory_space<vmem>>, vector<1x16xf32>,
        %get3A_236 = vector.shape_cast %get3A_235 : vector<1x16xf32> to vector<16xf32>
        %mul3A_237 = vector.broadcast %squeeze3A_107 : f32 to vector<16xf32>
        %mul3A_238 = arith.mulf %mul3A_237, %get3A_236 : vector<16xf32>
        %swap3A_239 = arith.index_cast %squeeze3A_112 : i32 to index
        %swap3A_240 = arith.constant 176 : index
        %swap3A_241 = tpu.vector_load %arg13[%swap3A_239, %swap3A_240] {strides = array<i32>} : memref<320x256xf32, #tpu.memory_space<vmem>>, vector<1x16xf32>,
        %swap3A_242 = vector.shape_cast %swap3A_241 : vector<1x16xf32> to vector<16xf32>
        %swap3A_243 = vector.shape_cast %mul3A_238 : vector<16xf32> to vector<1x16xf32>
        tpu.vector_store %arg13[%swap3A_239, %swap3A_240], %swap3A_243 {add = true, strides = array<i32>} : memref<320x256xf32, #tpu.memory_space<vmem>>, vector<1x16xf32>,
        %get3A_244 = arith.index_cast %sub3A_102 : i32 to index
        %get3A_245 = arith.constant 192 : index
        %get3A_246 = tpu.vector_load %arg12[%get3A_244, %get3A_245] {strides = array<i32>} : memref<128x256xf32, #tpu.memory_space<vmem>>, vector<1x16xf32>,
        %get3A_247 = vector.shape_cast %get3A_246 : vector<1x16xf32> to vector<16xf32>
        %mul3A_248 = vector.broadcast %squeeze3A_107 : f32 to vector<16xf32>
        %mul3A_249 = arith.mulf %mul3A_248, %get3A_247 : vector<16xf32>
        %swap3A_250 = arith.index_cast %squeeze3A_112 : i32 to index
        %swap3A_251 = arith.constant 192 : index
        %swap3A_252 = tpu.vector_load %arg13[%swap3A_250, %swap3A_251] {strides = array<i32>} : memref<320x256xf32, #tpu.memory_space<vmem>>, vector<1x16xf32>,
        %swap3A_253 = vector.shape_cast %swap3A_252 : vector<1x16xf32> to vector<16xf32>
        %swap3A_254 = vector.shape_cast %mul3A_249 : vector<16xf32> to vector<1x16xf32>
        tpu.vector_store %arg13[%swap3A_250, %swap3A_251], %swap3A_254 {add = true, strides = array<i32>} : memref<320x256xf32, #tpu.memory_space<vmem>>, vector<1x16xf32>,
        %get3A_255 = arith.index_cast %sub3A_102 : i32 to index
        %get3A_256 = arith.constant 208 : index
        %get3A_257 = tpu.vector_load %arg12[%get3A_255, %get3A_256] {strides = array<i32>} : memref<128x256xf32, #tpu.memory_space<vmem>>, vector<1x16xf32>,
        %get3A_258 = vector.shape_cast %get3A_257 : vector<1x16xf32> to vector<16xf32>
        %mul3A_259 = vector.broadcast %squeeze3A_107 : f32 to vector<16xf32>
        %mul3A_260 = arith.mulf %mul3A_259, %get3A_258 : vector<16xf32>
        %swap3A_261 = arith.index_cast %squeeze3A_112 : i32 to index
        %swap3A_262 = arith.constant 208 : index
        %swap3A_263 = tpu.vector_load %arg13[%swap3A_261, %swap3A_262] {strides = array<i32>} : memref<320x256xf32, #tpu.memory_space<vmem>>, vector<1x16xf32>,
        %swap3A_264 = vector.shape_cast %swap3A_263 : vector<1x16xf32> to vector<16xf32>
        %swap3A_265 = vector.shape_cast %mul3A_260 : vector<16xf32> to vector<1x16xf32>
        tpu.vector_store %arg13[%swap3A_261, %swap3A_262], %swap3A_265 {add = true, strides = array<i32>} : memref<320x256xf32, #tpu.memory_space<vmem>>, vector<1x16xf32>,
        %get3A_266 = arith.index_cast %sub3A_102 : i32 to index
        %get3A_267 = arith.constant 224 : index
        %get3A_268 = tpu.vector_load %arg12[%get3A_266, %get3A_267] {strides = array<i32>} : memref<128x256xf32, #tpu.memory_space<vmem>>, vector<1x16xf32>,
        %get3A_269 = vector.shape_cast %get3A_268 : vector<1x16xf32> to vector<16xf32>
        %mul3A_270 = vector.broadcast %squeeze3A_107 : f32 to vector<16xf32>
        %mul3A_271 = arith.mulf %mul3A_270, %get3A_269 : vector<16xf32>
        %swap3A_272 = arith.index_cast %squeeze3A_112 : i32 to index
        %swap3A_273 = arith.constant 224 : index
        %swap3A_274 = tpu.vector_load %arg13[%swap3A_272, %swap3A_273] {strides = array<i32>} : memref<320x256xf32, #tpu.memory_space<vmem>>, vector<1x16xf32>,
        %swap3A_275 = vector.shape_cast %swap3A_274 : vector<1x16xf32> to vector<16xf32>
        %swap3A_276 = vector.shape_cast %mul3A_271 : vector<16xf32> to vector<1x16xf32>
        tpu.vector_store %arg13[%swap3A_272, %swap3A_273], %swap3A_276 {add = true, strides = array<i32>} : memref<320x256xf32, #tpu.memory_space<vmem>>, vector<1x16xf32>,
        %get3A_277 = arith.index_cast %sub3A_102 : i32 to index
        %get3A_278 = arith.constant 240 : index
        %get3A_279 = tpu.vector_load %arg12[%get3A_277, %get3A_278] {strides = array<i32>} : memref<128x256xf32, #tpu.memory_space<vmem>>, vector<1x16xf32>,
        %get3A_280 = vector.shape_cast %get3A_279 : vector<1x16xf32> to vector<16xf32>
        %mul3A_281 = vector.broadcast %squeeze3A_107 : f32 to vector<16xf32>
        %mul3A_282 = arith.mulf %mul3A_281, %get3A_280 : vector<16xf32>
        %swap3A_283 = arith.index_cast %squeeze3A_112 : i32 to index
        %swap3A_284 = arith.constant 240 : index
        %swap3A_285 = tpu.vector_load %arg13[%swap3A_283, %swap3A_284] {strides = array<i32>} : memref<320x256xf32, #tpu.memory_space<vmem>>, vector<1x16xf32>,
        %swap3A_286 = vector.shape_cast %swap3A_285 : vector<1x16xf32> to vector<16xf32>
        %swap3A_287 = vector.shape_cast %mul3A_282 : vector<16xf32> to vector<1x16xf32>
        tpu.vector_store %arg13[%swap3A_283, %swap3A_284], %swap3A_287 {add = true, strides = array<i32>} : memref<320x256xf32, #tpu.memory_space<vmem>>, vector<1x16xf32>,
        %while3A_288 = arith.constant 0 : i32
        scf.yield %while3A_288 : i32
      }
      %while3A_97 = arith.constant 1 : i32
      %while3A_98 = scf.for %while3A_100 = %while3A_94 to %while3A_90 step %while3A_97 iter_args(%while3A_101 = %while3A_96) -> (i32)  : i32 {
        %sub3A_102 = arith.subi %while3A_100, %add3A_81 : i32
        %get3A_103 = arith.index_cast %sub3A_102 : i32 to index
        %get3A_104 = tpu.vector_load %arg10[%get3A_103] {strides = array<i32>} : memref<144xf32, #tpu.memory_space<vmem>>, vector<16xf32>,
        %get3A_105 = vector.shape_cast %get3A_104 : vector<16xf32> to vector<16xf32>
        %slice3A_106 = vector.extract_strided_slice %get3A_105 {offsets = [0], sizes = [1], strides = [1]} : vector<16xf32> to vector<1xf32>
        %squeeze3A_107 = vector.extract %slice3A_106[0] : f32 from vector<1xf32>
        %get3A_108 = arith.index_cast %sub3A_102 : i32 to index
        %get3A_109 = tpu.vector_load %arg11[%get3A_108] {strides = array<i32>} : memref<144xi32, #tpu.memory_space<vmem>>, vector<16xi32>,
        %get3A_110 = vector.shape_cast %get3A_109 : vector<16xi32> to vector<16xi32>
        %slice3A_111 = vector.extract_strided_slice %get3A_110 {offsets = [0], sizes = [1], strides = [1]} : vector<16xi32> to vector<1xi32>
        %squeeze3A_112 = vector.extract %slice3A_111[0] : i32 from vector<1xi32>
        %get3A_113 = arith.index_cast %sub3A_102 : i32 to index
        %get3A_114 = arith.constant 0 : index
        %get3A_115 = tpu.vector_load %arg12[%get3A_113, %get3A_114] {strides = array<i32>} : memref<128x256xf32, #tpu.memory_space<vmem>>, vector<1x16xf32>,
        %get3A_116 = vector.shape_cast %get3A_115 : vector<1x16xf32> to vector<16xf32>
        %mul3A_117 = vector.broadcast %squeeze3A_107 : f32 to vector<16xf32>
        %mul3A_118 = arith.mulf %mul3A_117, %get3A_116 : vector<16xf32>
        %swap3A = arith.index_cast %squeeze3A_112 : i32 to index
        %swap3A_119 = arith.constant 0 : index
        %swap3A_120 = tpu.vector_load %arg13[%swap3A, %swap3A_119] {strides = array<i32>} : memref<320x256xf32, #tpu.memory_space<vmem>>, vector<1x16xf32>,
        %swap3A_121 = vector.shape_cast %swap3A_120 : vector<1x16xf32> to vector<16xf32>
        %swap3A_122 = vector.shape_cast %mul3A_118 : vector<16xf32> to vector<1x16xf32>
        tpu.vector_store %arg13[%swap3A, %swap3A_119], %swap3A_122 {add = true, strides = array<i32>} : memref<320x256xf32, #tpu.memory_space<vmem>>, vector<1x16xf32>,
        %get3A_123 = arith.index_cast %sub3A_102 : i32 to index
        %get3A_124 = arith.constant 16 : index
        %get3A_125 = tpu.vector_load %arg12[%get3A_123, %get3A_124] {strides = array<i32>} : memref<128x256xf32, #tpu.memory_space<vmem>>, vector<1x16xf32>,
        %get3A_126 = vector.shape_cast %get3A_125 : vector<1x16xf32> to vector<16xf32>
        %mul3A_127 = vector.broadcast %squeeze3A_107 : f32 to vector<16xf32>
        %mul3A_128 = arith.mulf %mul3A_127, %get3A_126 : vector<16xf32>
        %swap3A_129 = arith.index_cast %squeeze3A_112 : i32 to index
        %swap3A_130 = arith.constant 16 : index
        %swap3A_131 = tpu.vector_load %arg13[%swap3A_129, %swap3A_130] {strides = array<i32>} : memref<320x256xf32, #tpu.memory_space<vmem>>, vector<1x16xf32>,
        %swap3A_132 = vector.shape_cast %swap3A_131 : vector<1x16xf32> to vector<16xf32>
        %swap3A_133 = vector.shape_cast %mul3A_128 : vector<16xf32> to vector<1x16xf32>
        tpu.vector_store %arg13[%swap3A_129, %swap3A_130], %swap3A_133 {add = true, strides = array<i32>} : memref<320x256xf32, #tpu.memory_space<vmem>>, vector<1x16xf32>,
        %get3A_134 = arith.index_cast %sub3A_102 : i32 to index
        %get3A_135 = arith.constant 32 : index
        %get3A_136 = tpu.vector_load %arg12[%get3A_134, %get3A_135] {strides = array<i32>} : memref<128x256xf32, #tpu.memory_space<vmem>>, vector<1x16xf32>,
        %get3A_137 = vector.shape_cast %get3A_136 : vector<1x16xf32> to vector<16xf32>
        %mul3A_138 = vector.broadcast %squeeze3A_107 : f32 to vector<16xf32>
        %mul3A_139 = arith.mulf %mul3A_138, %get3A_137 : vector<16xf32>
        %swap3A_140 = arith.index_cast %squeeze3A_112 : i32 to index
        %swap3A_141 = arith.constant 32 : index
        %swap3A_142 = tpu.vector_load %arg13[%swap3A_140, %swap3A_141] {strides = array<i32>} : memref<320x256xf32, #tpu.memory_space<vmem>>, vector<1x16xf32>,
        %swap3A_143 = vector.shape_cast %swap3A_142 : vector<1x16xf32> to vector<16xf32>
        %swap3A_144 = vector.shape_cast %mul3A_139 : vector<16xf32> to vector<1x16xf32>
        tpu.vector_store %arg13[%swap3A_140, %swap3A_141], %swap3A_144 {add = true, strides = array<i32>} : memref<320x256xf32, #tpu.memory_space<vmem>>, vector<1x16xf32>,
        %get3A_145 = arith.index_cast %sub3A_102 : i32 to index
        %get3A_146 = arith.constant 48 : index
        %get3A_147 = tpu.vector_load %arg12[%get3A_145, %get3A_146] {strides = array<i32>} : memref<128x256xf32, #tpu.memory_space<vmem>>, vector<1x16xf32>,
        %get3A_148 = vector.shape_cast %get3A_147 : vector<1x16xf32> to vector<16xf32>
        %mul3A_149 = vector.broadcast %squeeze3A_107 : f32 to vector<16xf32>
        %mul3A_150 = arith.mulf %mul3A_149, %get3A_148 : vector<16xf32>
        %swap3A_151 = arith.index_cast %squeeze3A_112 : i32 to index
        %swap3A_152 = arith.constant 48 : index
        %swap3A_153 = tpu.vector_load %arg13[%swap3A_151, %swap3A_152] {strides = array<i32>} : memref<320x256xf32, #tpu.memory_space<vmem>>, vector<1x16xf32>,
        %swap3A_154 = vector.shape_cast %swap3A_153 : vector<1x16xf32> to vector<16xf32>
        %swap3A_155 = vector.shape_cast %mul3A_150 : vector<16xf32> to vector<1x16xf32>
        tpu.vector_store %arg13[%swap3A_151, %swap3A_152], %swap3A_155 {add = true, strides = array<i32>} : memref<320x256xf32, #tpu.memory_space<vmem>>, vector<1x16xf32>,
        %get3A_156 = arith.index_cast %sub3A_102 : i32 to index
        %get3A_157 = arith.constant 64 : index
        %get3A_158 = tpu.vector_load %arg12[%get3A_156, %get3A_157] {strides = array<i32>} : memref<128x256xf32, #tpu.memory_space<vmem>>, vector<1x16xf32>,
        %get3A_159 = vector.shape_cast %get3A_158 : vector<1x16xf32> to vector<16xf32>
        %mul3A_160 = vector.broadcast %squeeze3A_107 : f32 to vector<16xf32>
        %mul3A_161 = arith.mulf %mul3A_160, %get3A_159 : vector<16xf32>
        %swap3A_162 = arith.index_cast %squeeze3A_112 : i32 to index
        %swap3A_163 = arith.constant 64 : index
        %swap3A_164 = tpu.vector_load %arg13[%swap3A_162, %swap3A_163] {strides = array<i32>} : memref<320x256xf32, #tpu.memory_space<vmem>>, vector<1x16xf32>,
        %swap3A_165 = vector.shape_cast %swap3A_164 : vector<1x16xf32> to vector<16xf32>
        %swap3A_166 = vector.shape_cast %mul3A_161 : vector<16xf32> to vector<1x16xf32>
        tpu.vector_store %arg13[%swap3A_162, %swap3A_163], %swap3A_166 {add = true, strides = array<i32>} : memref<320x256xf32, #tpu.memory_space<vmem>>, vector<1x16xf32>,
        %get3A_167 = arith.index_cast %sub3A_102 : i32 to index
        %get3A_168 = arith.constant 80 : index
        %get3A_169 = tpu.vector_load %arg12[%get3A_167, %get3A_168] {strides = array<i32>} : memref<128x256xf32, #tpu.memory_space<vmem>>, vector<1x16xf32>,
        %get3A_170 = vector.shape_cast %get3A_169 : vector<1x16xf32> to vector<16xf32>
        %mul3A_171 = vector.broadcast %squeeze3A_107 : f32 to vector<16xf32>
        %mul3A_172 = arith.mulf %mul3A_171, %get3A_170 : vector<16xf32>
        %swap3A_173 = arith.index_cast %squeeze3A_112 : i32 to index
        %swap3A_174 = arith.constant 80 : index
        %swap3A_175 = tpu.vector_load %arg13[%swap3A_173, %swap3A_174] {strides = array<i32>} : memref<320x256xf32, #tpu.memory_space<vmem>>, vector<1x16xf32>,
        %swap3A_176 = vector.shape_cast %swap3A_175 : vector<1x16xf32> to vector<16xf32>
        %swap3A_177 = vector.shape_cast %mul3A_172 : vector<16xf32> to vector<1x16xf32>
        tpu.vector_store %arg13[%swap3A_173, %swap3A_174], %swap3A_177 {add = true, strides = array<i32>} : memref<320x256xf32, #tpu.memory_space<vmem>>, vector<1x16xf32>,
        %get3A_178 = arith.index_cast %sub3A_102 : i32 to index
        %get3A_179 = arith.constant 96 : index
        %get3A_180 = tpu.vector_load %arg12[%get3A_178, %get3A_179] {strides = array<i32>} : memref<128x256xf32, #tpu.memory_space<vmem>>, vector<1x16xf32>,
        %get3A_181 = vector.shape_cast %get3A_180 : vector<1x16xf32> to vector<16xf32>
        %mul3A_182 = vector.broadcast %squeeze3A_107 : f32 to vector<16xf32>
        %mul3A_183 = arith.mulf %mul3A_182, %get3A_181 : vector<16xf32>
        %swap3A_184 = arith.index_cast %squeeze3A_112 : i32 to index
        %swap3A_185 = arith.constant 96 : index
        %swap3A_186 = tpu.vector_load %arg13[%swap3A_184, %swap3A_185] {strides = array<i32>} : memref<320x256xf32, #tpu.memory_space<vmem>>, vector<1x16xf32>,
        %swap3A_187 = vector.shape_cast %swap3A_186 : vector<1x16xf32> to vector<16xf32>
        %swap3A_188 = vector.shape_cast %mul3A_183 : vector<16xf32> to vector<1x16xf32>
        tpu.vector_store %arg13[%swap3A_184, %swap3A_185], %swap3A_188 {add = true, strides = array<i32>} : memref<320x256xf32, #tpu.memory_space<vmem>>, vector<1x16xf32>,
        %get3A_189 = arith.index_cast %sub3A_102 : i32 to index
        %get3A_190 = arith.constant 112 : index
        %get3A_191 = tpu.vector_load %arg12[%get3A_189, %get3A_190] {strides = array<i32>} : memref<128x256xf32, #tpu.memory_space<vmem>>, vector<1x16xf32>,
        %get3A_192 = vector.shape_cast %get3A_191 : vector<1x16xf32> to vector<16xf32>
        %mul3A_193 = vector.broadcast %squeeze3A_107 : f32 to vector<16xf32>
        %mul3A_194 = arith.mulf %mul3A_193, %get3A_192 : vector<16xf32>
        %swap3A_195 = arith.index_cast %squeeze3A_112 : i32 to index
        %swap3A_196 = arith.constant 112 : index
        %swap3A_197 = tpu.vector_load %arg13[%swap3A_195, %swap3A_196] {strides = array<i32>} : memref<320x256xf32, #tpu.memory_space<vmem>>, vector<1x16xf32>,
        %swap3A_198 = vector.shape_cast %swap3A_197 : vector<1x16xf32> to vector<16xf32>
        %swap3A_199 = vector.shape_cast %mul3A_194 : vector<16xf32> to vector<1x16xf32>
        tpu.vector_store %arg13[%swap3A_195, %swap3A_196], %swap3A_199 {add = true, strides = array<i32>} : memref<320x256xf32, #tpu.memory_space<vmem>>, vector<1x16xf32>,
        %get3A_200 = arith.index_cast %sub3A_102 : i32 to index
        %get3A_201 = arith.constant 128 : index
        %get3A_202 = tpu.vector_load %arg12[%get3A_200, %get3A_201] {strides = array<i32>} : memref<128x256xf32, #tpu.memory_space<vmem>>, vector<1x16xf32>,
        %get3A_203 = vector.shape_cast %get3A_202 : vector<1x16xf32> to vector<16xf32>
        %mul3A_204 = vector.broadcast %squeeze3A_107 : f32 to vector<16xf32>
        %mul3A_205 = arith.mulf %mul3A_204, %get3A_203 : vector<16xf32>
        %swap3A_206 = arith.index_cast %squeeze3A_112 : i32 to index
        %swap3A_207 = arith.constant 128 : index
        %swap3A_208 = tpu.vector_load %arg13[%swap3A_206, %swap3A_207] {strides = array<i32>} : memref<320x256xf32, #tpu.memory_space<vmem>>, vector<1x16xf32>,
        %swap3A_209 = vector.shape_cast %swap3A_208 : vector<1x16xf32> to vector<16xf32>
        %swap3A_210 = vector.shape_cast %mul3A_205 : vector<16xf32> to vector<1x16xf32>
        tpu.vector_store %arg13[%swap3A_206, %swap3A_207], %swap3A_210 {add = true, strides = array<i32>} : memref<320x256xf32, #tpu.memory_space<vmem>>, vector<1x16xf32>,
        %get3A_211 = arith.index_cast %sub3A_102 : i32 to index
        %get3A_212 = arith.constant 144 : index
        %get3A_213 = tpu.vector_load %arg12[%get3A_211, %get3A_212] {strides = array<i32>} : memref<128x256xf32, #tpu.memory_space<vmem>>, vector<1x16xf32>,
        %get3A_214 = vector.shape_cast %get3A_213 : vector<1x16xf32> to vector<16xf32>
        %mul3A_215 = vector.broadcast %squeeze3A_107 : f32 to vector<16xf32>
        %mul3A_216 = arith.mulf %mul3A_215, %get3A_214 : vector<16xf32>
        %swap3A_217 = arith.index_cast %squeeze3A_112 : i32 to index
        %swap3A_218 = arith.constant 144 : index
        %swap3A_219 = tpu.vector_load %arg13[%swap3A_217, %swap3A_218] {strides = array<i32>} : memref<320x256xf32, #tpu.memory_space<vmem>>, vector<1x16xf32>,
        %swap3A_220 = vector.shape_cast %swap3A_219 : vector<1x16xf32> to vector<16xf32>
        %swap3A_221 = vector.shape_cast %mul3A_216 : vector<16xf32> to vector<1x16xf32>
        tpu.vector_store %arg13[%swap3A_217, %swap3A_218], %swap3A_221 {add = true, strides = array<i32>} : memref<320x256xf32, #tpu.memory_space<vmem>>, vector<1x16xf32>,
        %get3A_222 = arith.index_cast %sub3A_102 : i32 to index
        %get3A_223 = arith.constant 160 : index
        %get3A_224 = tpu.vector_load %arg12[%get3A_222, %get3A_223] {strides = array<i32>} : memref<128x256xf32, #tpu.memory_space<vmem>>, vector<1x16xf32>,
        %get3A_225 = vector.shape_cast %get3A_224 : vector<1x16xf32> to vector<16xf32>
        %mul3A_226 = vector.broadcast %squeeze3A_107 : f32 to vector<16xf32>
        %mul3A_227 = arith.mulf %mul3A_226, %get3A_225 : vector<16xf32>
        %swap3A_228 = arith.index_cast %squeeze3A_112 : i32 to index
        %swap3A_229 = arith.constant 160 : index
        %swap3A_230 = tpu.vector_load %arg13[%swap3A_228, %swap3A_229] {strides = array<i32>} : memref<320x256xf32, #tpu.memory_space<vmem>>, vector<1x16xf32>,
        %swap3A_231 = vector.shape_cast %swap3A_230 : vector<1x16xf32> to vector<16xf32>
        %swap3A_232 = vector.shape_cast %mul3A_227 : vector<16xf32> to vector<1x16xf32>
        tpu.vector_store %arg13[%swap3A_228, %swap3A_229], %swap3A_232 {add = true, strides = array<i32>} : memref<320x256xf32, #tpu.memory_space<vmem>>, vector<1x16xf32>,
        %get3A_233 = arith.index_cast %sub3A_102 : i32 to index
        %get3A_234 = arith.constant 176 : index
        %get3A_235 = tpu.vector_load %arg12[%get3A_233, %get3A_234] {strides = array<i32>} : memref<128x256xf32, #tpu.memory_space<vmem>>, vector<1x16xf32>,
        %get3A_236 = vector.shape_cast %get3A_235 : vector<1x16xf32> to vector<16xf32>
        %mul3A_237 = vector.broadcast %squeeze3A_107 : f32 to vector<16xf32>
        %mul3A_238 = arith.mulf %mul3A_237, %get3A_236 : vector<16xf32>
        %swap3A_239 = arith.index_cast %squeeze3A_112 : i32 to index
        %swap3A_240 = arith.constant 176 : index
        %swap3A_241 = tpu.vector_load %arg13[%swap3A_239, %swap3A_240] {strides = array<i32>} : memref<320x256xf32, #tpu.memory_space<vmem>>, vector<1x16xf32>,
        %swap3A_242 = vector.shape_cast %swap3A_241 : vector<1x16xf32> to vector<16xf32>
        %swap3A_243 = vector.shape_cast %mul3A_238 : vector<16xf32> to vector<1x16xf32>
        tpu.vector_store %arg13[%swap3A_239, %swap3A_240], %swap3A_243 {add = true, strides = array<i32>} : memref<320x256xf32, #tpu.memory_space<vmem>>, vector<1x16xf32>,
        %get3A_244 = arith.index_cast %sub3A_102 : i32 to index
        %get3A_245 = arith.constant 192 : index
        %get3A_246 = tpu.vector_load %arg12[%get3A_244, %get3A_245] {strides = array<i32>} : memref<128x256xf32, #tpu.memory_space<vmem>>, vector<1x16xf32>,
        %get3A_247 = vector.shape_cast %get3A_246 : vector<1x16xf32> to vector<16xf32>
        %mul3A_248 = vector.broadcast %squeeze3A_107 : f32 to vector<16xf32>
        %mul3A_249 = arith.mulf %mul3A_248, %get3A_247 : vector<16xf32>
        %swap3A_250 = arith.index_cast %squeeze3A_112 : i32 to index
        %swap3A_251 = arith.constant 192 : index
        %swap3A_252 = tpu.vector_load %arg13[%swap3A_250, %swap3A_251] {strides = array<i32>} : memref<320x256xf32, #tpu.memory_space<vmem>>, vector<1x16xf32>,
        %swap3A_253 = vector.shape_cast %swap3A_252 : vector<1x16xf32> to vector<16xf32>
        %swap3A_254 = vector.shape_cast %mul3A_249 : vector<16xf32> to vector<1x16xf32>
        tpu.vector_store %arg13[%swap3A_250, %swap3A_251], %swap3A_254 {add = true, strides = array<i32>} : memref<320x256xf32, #tpu.memory_space<vmem>>, vector<1x16xf32>,
        %get3A_255 = arith.index_cast %sub3A_102 : i32 to index
        %get3A_256 = arith.constant 208 : index
        %get3A_257 = tpu.vector_load %arg12[%get3A_255, %get3A_256] {strides = array<i32>} : memref<128x256xf32, #tpu.memory_space<vmem>>, vector<1x16xf32>,
        %get3A_258 = vector.shape_cast %get3A_257 : vector<1x16xf32> to vector<16xf32>
        %mul3A_259 = vector.broadcast %squeeze3A_107 : f32 to vector<16xf32>
        %mul3A_260 = arith.mulf %mul3A_259, %get3A_258 : vector<16xf32>
        %swap3A_261 = arith.index_cast %squeeze3A_112 : i32 to index
        %swap3A_262 = arith.constant 208 : index
        %swap3A_263 = tpu.vector_load %arg13[%swap3A_261, %swap3A_262] {strides = array<i32>} : memref<320x256xf32, #tpu.memory_space<vmem>>, vector<1x16xf32>,
        %swap3A_264 = vector.shape_cast %swap3A_263 : vector<1x16xf32> to vector<16xf32>
        %swap3A_265 = vector.shape_cast %mul3A_260 : vector<16xf32> to vector<1x16xf32>
        tpu.vector_store %arg13[%swap3A_261, %swap3A_262], %swap3A_265 {add = true, strides = array<i32>} : memref<320x256xf32, #tpu.memory_space<vmem>>, vector<1x16xf32>,
        %get3A_266 = arith.index_cast %sub3A_102 : i32 to index
        %get3A_267 = arith.constant 224 : index
        %get3A_268 = tpu.vector_load %arg12[%get3A_266, %get3A_267] {strides = array<i32>} : memref<128x256xf32, #tpu.memory_space<vmem>>, vector<1x16xf32>,
        %get3A_269 = vector.shape_cast %get3A_268 : vector<1x16xf32> to vector<16xf32>
        %mul3A_270 = vector.broadcast %squeeze3A_107 : f32 to vector<16xf32>
        %mul3A_271 = arith.mulf %mul3A_270, %get3A_269 : vector<16xf32>
        %swap3A_272 = arith.index_cast %squeeze3A_112 : i32 to index
        %swap3A_273 = arith.constant 224 : index
        %swap3A_274 = tpu.vector_load %arg13[%swap3A_272, %swap3A_273] {strides = array<i32>} : memref<320x256xf32, #tpu.memory_space<vmem>>, vector<1x16xf32>,
        %swap3A_275 = vector.shape_cast %swap3A_274 : vector<1x16xf32> to vector<16xf32>
        %swap3A_276 = vector.shape_cast %mul3A_271 : vector<16xf32> to vector<1x16xf32>
        tpu.vector_store %arg13[%swap3A_272, %swap3A_273], %swap3A_276 {add = true, strides = array<i32>} : memref<320x256xf32, #tpu.memory_space<vmem>>, vector<1x16xf32>,
        %get3A_277 = arith.index_cast %sub3A_102 : i32 to index
        %get3A_278 = arith.constant 240 : index
        %get3A_279 = tpu.vector_load %arg12[%get3A_277, %get3A_278] {strides = array<i32>} : memref<128x256xf32, #tpu.memory_space<vmem>>, vector<1x16xf32>,
        %get3A_280 = vector.shape_cast %get3A_279 : vector<1x16xf32> to vector<16xf32>
        %mul3A_281 = vector.broadcast %squeeze3A_107 : f32 to vector<16xf32>
        %mul3A_282 = arith.mulf %mul3A_281, %get3A_280 : vector<16xf32>
        %swap3A_283 = arith.index_cast %squeeze3A_112 : i32 to index
        %swap3A_284 = arith.constant 240 : index
        %swap3A_285 = tpu.vector_load %arg13[%swap3A_283, %swap3A_284] {strides = array<i32>} : memref<320x256xf32, #tpu.memory_space<vmem>>, vector<1x16xf32>,
        %swap3A_286 = vector.shape_cast %swap3A_285 : vector<1x16xf32> to vector<16xf32>
        %swap3A_287 = vector.shape_cast %mul3A_282 : vector<16xf32> to vector<1x16xf32>
        tpu.vector_store %arg13[%swap3A_283, %swap3A_284], %swap3A_287 {add = true, strides = array<i32>} : memref<320x256xf32, #tpu.memory_space<vmem>>, vector<1x16xf32>,
        %while3A_288 = arith.constant 0 : i32
        scf.yield %while3A_288 : i32
      }
      %while3A_99 = arith.constant 0 : i32
      scf.yield %while3A_99 : i32
    }
    %while3A_75 = arith.constant 1 : i32
    %while3A_76 = scf.for %while3A_77 = %while3A_72 to %while3A_68 step %while3A_75 iter_args(%while3A_78 = %while3A_74) -> (i32)  : i32 {
      %mul3A_79 = arith.constant 128 : i32
      %mul3A_80 = arith.muli %while3A_77, %mul3A_79 : i32
      %add3A_81 = arith.addi %mul3A_36, %mul3A_80 : i32
      "tpu.region"() ({
        %run_scoped3A = tpu.sem_alloc : memref<!tpu.dma_semaphore, #tpu.memory_space<semaphore_mem>>
        %dma_start3A_100 = tpu.memref_slice %arg4[%add3A_81] : memref<160128xi32, #tpu.memory_space<hbm>> -> memref<128xi32, #tpu.memory_space<hbm>>
        %dma_start3A_101 = tpu.memref_slice %arg4[%add3A_81] : memref<160128xi32, #tpu.memory_space<hbm>> -> memref<128xi32, #tpu.memory_space<hbm>>
        tpu.enqueue_dma source(%dma_start3A_101 : memref<128xi32, #tpu.memory_space<hbm>>) target(%arg9 : memref<128xi32, #tpu.memory_space<vmem>>) target_semaphore(%run_scoped3A : memref<!tpu.dma_semaphore, #tpu.memory_space<semaphore_mem>>)
        %dma_wait3A_102 = tpu.memref_slice %arg4[%add3A_81] : memref<160128xi32, #tpu.memory_space<hbm>> -> memref<128xi32, #tpu.memory_space<hbm>>
        %dma_wait3A_103 = tpu.memref_slice %arg4[%add3A_81] : memref<160128xi32, #tpu.memory_space<hbm>> -> memref<128xi32, #tpu.memory_space<hbm>>
        tpu.wait_dma2 semaphore(%run_scoped3A : memref<!tpu.dma_semaphore, #tpu.memory_space<semaphore_mem>>) src(%dma_wait3A_103 : memref<128xi32, #tpu.memory_space<hbm>>) dst(%arg9 : memref<128xi32, #tpu.memory_space<vmem>>)
        tpu.yield
      }) : () -> ()
      "tpu.region"() ({
        %run_scoped3A = tpu.sem_alloc : memref<!tpu.dma_semaphore, #tpu.memory_space<semaphore_mem>>
        %dma_start3A_100 = arith.constant 0 : i32
        %dma_start3A_101 = tpu.memref_slice %arg10[%dma_start3A_100] : memref<144xf32, #tpu.memory_space<vmem>> -> memref<128xf32, #tpu.memory_space<vmem>>
        %dma_start3A_102 = tpu.memref_slice %arg3[%add3A_81] : memref<160128xf32, #tpu.memory_space<hbm>> -> memref<128xf32, #tpu.memory_space<hbm>>
        %dma_start3A_103 = arith.constant 0 : i32
        %dma_start3A_104 = tpu.memref_slice %arg10[%dma_start3A_103] : memref<144xf32, #tpu.memory_space<vmem>> -> memref<128xf32, #tpu.memory_space<vmem>>
        %dma_start3A_105 = tpu.memref_slice %arg3[%add3A_81] : memref<160128xf32, #tpu.memory_space<hbm>> -> memref<128xf32, #tpu.memory_space<hbm>>
        tpu.enqueue_dma source(%dma_start3A_105 : memref<128xf32, #tpu.memory_space<hbm>>) target(%dma_start3A_104 : memref<128xf32, #tpu.memory_space<vmem>>) target_semaphore(%run_scoped3A : memref<!tpu.dma_semaphore, #tpu.memory_space<semaphore_mem>>)
        %dma_wait3A_106 = arith.constant 0 : i32
        %dma_wait3A_107 = tpu.memref_slice %arg10[%dma_wait3A_106] : memref<144xf32, #tpu.memory_space<vmem>> -> memref<128xf32, #tpu.memory_space<vmem>>
        %dma_wait3A_108 = tpu.memref_slice %arg3[%add3A_81] : memref<160128xf32, #tpu.memory_space<hbm>> -> memref<128xf32, #tpu.memory_space<hbm>>
        %dma_wait3A_109 = arith.constant 0 : i32
        %dma_wait3A_110 = tpu.memref_slice %arg10[%dma_wait3A_109] : memref<144xf32, #tpu.memory_space<vmem>> -> memref<128xf32, #tpu.memory_space<vmem>>
        %dma_wait3A_111 = tpu.memref_slice %arg3[%add3A_81] : memref<160128xf32, #tpu.memory_space<hbm>> -> memref<128xf32, #tpu.memory_space<hbm>>
        tpu.wait_dma2 semaphore(%run_scoped3A : memref<!tpu.dma_semaphore, #tpu.memory_space<semaphore_mem>>) src(%dma_wait3A_111 : memref<128xf32, #tpu.memory_space<hbm>>) dst(%dma_wait3A_110 : memref<128xf32, #tpu.memory_space<vmem>>)
        tpu.yield
      }) : () -> ()
      "tpu.region"() ({
        %run_scoped3A = tpu.sem_alloc : memref<!tpu.dma_semaphore, #tpu.memory_space<semaphore_mem>>
        %dma_start3A_100 = arith.constant 0 : i32
        %dma_start3A_101 = tpu.memref_slice %arg11[%dma_start3A_100] : memref<144xi32, #tpu.memory_space<vmem>> -> memref<128xi32, #tpu.memory_space<vmem>>
        %dma_start3A_102 = tpu.memref_slice %arg5[%add3A_81] : memref<160128xi32, #tpu.memory_space<hbm>> -> memref<128xi32, #tpu.memory_space<hbm>>
        %dma_start3A_103 = arith.constant 0 : i32
        %dma_start3A_104 = tpu.memref_slice %arg11[%dma_start3A_103] : memref<144xi32, #tpu.memory_space<vmem>> -> memref<128xi32, #tpu.memory_space<vmem>>
        %dma_start3A_105 = tpu.memref_slice %arg5[%add3A_81] : memref<160128xi32, #tpu.memory_space<hbm>> -> memref<128xi32, #tpu.memory_space<hbm>>
        tpu.enqueue_dma source(%dma_start3A_105 : memref<128xi32, #tpu.memory_space<hbm>>) target(%dma_start3A_104 : memref<128xi32, #tpu.memory_space<vmem>>) target_semaphore(%run_scoped3A : memref<!tpu.dma_semaphore, #tpu.memory_space<semaphore_mem>>)
        %dma_wait3A_106 = arith.constant 0 : i32
        %dma_wait3A_107 = tpu.memref_slice %arg11[%dma_wait3A_106] : memref<144xi32, #tpu.memory_space<vmem>> -> memref<128xi32, #tpu.memory_space<vmem>>
        %dma_wait3A_108 = tpu.memref_slice %arg5[%add3A_81] : memref<160128xi32, #tpu.memory_space<hbm>> -> memref<128xi32, #tpu.memory_space<hbm>>
        %dma_wait3A_109 = arith.constant 0 : i32
        %dma_wait3A_110 = tpu.memref_slice %arg11[%dma_wait3A_109] : memref<144xi32, #tpu.memory_space<vmem>> -> memref<128xi32, #tpu.memory_space<vmem>>
        %dma_wait3A_111 = tpu.memref_slice %arg5[%add3A_81] : memref<160128xi32, #tpu.memory_space<hbm>> -> memref<128xi32, #tpu.memory_space<hbm>>
        tpu.wait_dma2 semaphore(%run_scoped3A : memref<!tpu.dma_semaphore, #tpu.memory_space<semaphore_mem>>) src(%dma_wait3A_111 : memref<128xi32, #tpu.memory_space<hbm>>) dst(%dma_wait3A_110 : memref<128xi32, #tpu.memory_space<vmem>>)
        tpu.yield
      }) : () -> ()
      %dma_start3A = arith.constant 0 : i32
      %dma_start3A_82 = arith.constant 0 : i32
      %dma_start3A_83 = tpu.memref_slice %arg2[%dma_start3A, %dma_start3A_82] : memref<20000x256xf32, #tpu.memory_space<hbm>> -> memref<20000x256xf32, #tpu.memory_space<hbm>>
      tpu.enqueue_indirect_dma source(%dma_start3A_83 : memref<20000x256xf32, #tpu.memory_space<hbm>>) target(%arg12 : memref<128x256xf32, #tpu.memory_space<vmem>>) offsets(%arg9 : memref<128xi32, #tpu.memory_space<vmem>>) semaphore(%arg14 : memref<!tpu.dma_semaphore, #tpu.memory_space<semaphore_mem>>)
      %dma_wait3A = arith.constant 0 : i32
      %dma_wait3A_84 = arith.constant 0 : i32
      %dma_wait3A_85 = tpu.memref_slice %arg2[%dma_wait3A, %dma_wait3A_84] : memref<20000x256xf32, #tpu.memory_space<hbm>> -> memref<20000x256xf32, #tpu.memory_space<hbm>>
      tpu.wait_indirect_dma semaphore(%arg14 : memref<!tpu.dma_semaphore, #tpu.memory_space<semaphore_mem>>) src(%dma_wait3A_85 : memref<20000x256xf32, #tpu.memory_space<hbm>>) dst(%arg12 : memref<128x256xf32, #tpu.memory_space<vmem>>)
      %max3A = arith.maxsi %squeeze3A, %add3A_81 : i32
      %add3A_86 = arith.constant 128 : i32
      %add3A_87 = arith.addi %add3A_81, %add3A_86 : i32
      %min3A = arith.minsi %squeeze3A_18, %add3A_87 : i32
      %while3A_88 = arith.constant 0 : i32
      %while3A_89 = arith.subi %min3A, %max3A : i32
      %while3A_90 = arith.addi %max3A, %while3A_89 : i32
      %while3A_91 = arith.constant 1 : i32
      %while3A_92 = arith.divsi %while3A_89, %while3A_91 : i32
      %while3A_93 = arith.muli %while3A_92, %while3A_91 : i32
      %while3A_94 = arith.addi %max3A, %while3A_93 : i32
      %while3A_95 = arith.constant 1 : i32
      %while3A_96 = scf.for %while3A_100 = %max3A to %while3A_94 step %while3A_95 iter_args(%while3A_101 = %while3A_88) -> (i32)  : i32 {
        %sub3A_102 = arith.subi %while3A_100, %add3A_81 : i32
        %get3A_103 = arith.index_cast %sub3A_102 : i32 to index
        %get3A_104 = tpu.vector_load %arg10[%get3A_103] {strides = array<i32>} : memref<144xf32, #tpu.memory_space<vmem>>, vector<16xf32>,
        %get3A_105 = vector.shape_cast %get3A_104 : vector<16xf32> to vector<16xf32>
        %slice3A_106 = vector.extract_strided_slice %get3A_105 {offsets = [0], sizes = [1], strides = [1]} : vector<16xf32> to vector<1xf32>
        %squeeze3A_107 = vector.extract %slice3A_106[0] : f32 from vector<1xf32>
        %get3A_108 = arith.index_cast %sub3A_102 : i32 to index
        %get3A_109 = tpu.vector_load %arg11[%get3A_108] {strides = array<i32>} : memref<144xi32, #tpu.memory_space<vmem>>, vector<16xi32>,
        %get3A_110 = vector.shape_cast %get3A_109 : vector<16xi32> to vector<16xi32>
        %slice3A_111 = vector.extract_strided_slice %get3A_110 {offsets = [0], sizes = [1], strides = [1]} : vector<16xi32> to vector<1xi32>
        %squeeze3A_112 = vector.extract %slice3A_111[0] : i32 from vector<1xi32>
        %get3A_113 = arith.index_cast %sub3A_102 : i32 to index
        %get3A_114 = arith.constant 0 : index
        %get3A_115 = tpu.vector_load %arg12[%get3A_113, %get3A_114] {strides = array<i32>} : memref<128x256xf32, #tpu.memory_space<vmem>>, vector<1x16xf32>,
        %get3A_116 = vector.shape_cast %get3A_115 : vector<1x16xf32> to vector<16xf32>
        %mul3A_117 = vector.broadcast %squeeze3A_107 : f32 to vector<16xf32>
        %mul3A_118 = arith.mulf %mul3A_117, %get3A_116 : vector<16xf32>
        %swap3A = arith.index_cast %squeeze3A_112 : i32 to index
        %swap3A_119 = arith.constant 0 : index
        %swap3A_120 = tpu.vector_load %arg13[%swap3A, %swap3A_119] {strides = array<i32>} : memref<320x256xf32, #tpu.memory_space<vmem>>, vector<1x16xf32>,
        %swap3A_121 = vector.shape_cast %swap3A_120 : vector<1x16xf32> to vector<16xf32>
        %swap3A_122 = vector.shape_cast %mul3A_118 : vector<16xf32> to vector<1x16xf32>
        tpu.vector_store %arg13[%swap3A, %swap3A_119], %swap3A_122 {add = true, strides = array<i32>} : memref<320x256xf32, #tpu.memory_space<vmem>>, vector<1x16xf32>,
        %get3A_123 = arith.index_cast %sub3A_102 : i32 to index
        %get3A_124 = arith.constant 16 : index
        %get3A_125 = tpu.vector_load %arg12[%get3A_123, %get3A_124] {strides = array<i32>} : memref<128x256xf32, #tpu.memory_space<vmem>>, vector<1x16xf32>,
        %get3A_126 = vector.shape_cast %get3A_125 : vector<1x16xf32> to vector<16xf32>
        %mul3A_127 = vector.broadcast %squeeze3A_107 : f32 to vector<16xf32>
        %mul3A_128 = arith.mulf %mul3A_127, %get3A_126 : vector<16xf32>
        %swap3A_129 = arith.index_cast %squeeze3A_112 : i32 to index
        %swap3A_130 = arith.constant 16 : index
        %swap3A_131 = tpu.vector_load %arg13[%swap3A_129, %swap3A_130] {strides = array<i32>} : memref<320x256xf32, #tpu.memory_space<vmem>>, vector<1x16xf32>,
        %swap3A_132 = vector.shape_cast %swap3A_131 : vector<1x16xf32> to vector<16xf32>
        %swap3A_133 = vector.shape_cast %mul3A_128 : vector<16xf32> to vector<1x16xf32>
        tpu.vector_store %arg13[%swap3A_129, %swap3A_130], %swap3A_133 {add = true, strides = array<i32>} : memref<320x256xf32, #tpu.memory_space<vmem>>, vector<1x16xf32>,
        %get3A_134 = arith.index_cast %sub3A_102 : i32 to index
        %get3A_135 = arith.constant 32 : index
        %get3A_136 = tpu.vector_load %arg12[%get3A_134, %get3A_135] {strides = array<i32>} : memref<128x256xf32, #tpu.memory_space<vmem>>, vector<1x16xf32>,
        %get3A_137 = vector.shape_cast %get3A_136 : vector<1x16xf32> to vector<16xf32>
        %mul3A_138 = vector.broadcast %squeeze3A_107 : f32 to vector<16xf32>
        %mul3A_139 = arith.mulf %mul3A_138, %get3A_137 : vector<16xf32>
        %swap3A_140 = arith.index_cast %squeeze3A_112 : i32 to index
        %swap3A_141 = arith.constant 32 : index
        %swap3A_142 = tpu.vector_load %arg13[%swap3A_140, %swap3A_141] {strides = array<i32>} : memref<320x256xf32, #tpu.memory_space<vmem>>, vector<1x16xf32>,
        %swap3A_143 = vector.shape_cast %swap3A_142 : vector<1x16xf32> to vector<16xf32>
        %swap3A_144 = vector.shape_cast %mul3A_139 : vector<16xf32> to vector<1x16xf32>
        tpu.vector_store %arg13[%swap3A_140, %swap3A_141], %swap3A_144 {add = true, strides = array<i32>} : memref<320x256xf32, #tpu.memory_space<vmem>>, vector<1x16xf32>,
        %get3A_145 = arith.index_cast %sub3A_102 : i32 to index
        %get3A_146 = arith.constant 48 : index
        %get3A_147 = tpu.vector_load %arg12[%get3A_145, %get3A_146] {strides = array<i32>} : memref<128x256xf32, #tpu.memory_space<vmem>>, vector<1x16xf32>,
        %get3A_148 = vector.shape_cast %get3A_147 : vector<1x16xf32> to vector<16xf32>
        %mul3A_149 = vector.broadcast %squeeze3A_107 : f32 to vector<16xf32>
        %mul3A_150 = arith.mulf %mul3A_149, %get3A_148 : vector<16xf32>
        %swap3A_151 = arith.index_cast %squeeze3A_112 : i32 to index
        %swap3A_152 = arith.constant 48 : index
        %swap3A_153 = tpu.vector_load %arg13[%swap3A_151, %swap3A_152] {strides = array<i32>} : memref<320x256xf32, #tpu.memory_space<vmem>>, vector<1x16xf32>,
        %swap3A_154 = vector.shape_cast %swap3A_153 : vector<1x16xf32> to vector<16xf32>
        %swap3A_155 = vector.shape_cast %mul3A_150 : vector<16xf32> to vector<1x16xf32>
        tpu.vector_store %arg13[%swap3A_151, %swap3A_152], %swap3A_155 {add = true, strides = array<i32>} : memref<320x256xf32, #tpu.memory_space<vmem>>, vector<1x16xf32>,
        %get3A_156 = arith.index_cast %sub3A_102 : i32 to index
        %get3A_157 = arith.constant 64 : index
        %get3A_158 = tpu.vector_load %arg12[%get3A_156, %get3A_157] {strides = array<i32>} : memref<128x256xf32, #tpu.memory_space<vmem>>, vector<1x16xf32>,
        %get3A_159 = vector.shape_cast %get3A_158 : vector<1x16xf32> to vector<16xf32>
        %mul3A_160 = vector.broadcast %squeeze3A_107 : f32 to vector<16xf32>
        %mul3A_161 = arith.mulf %mul3A_160, %get3A_159 : vector<16xf32>
        %swap3A_162 = arith.index_cast %squeeze3A_112 : i32 to index
        %swap3A_163 = arith.constant 64 : index
        %swap3A_164 = tpu.vector_load %arg13[%swap3A_162, %swap3A_163] {strides = array<i32>} : memref<320x256xf32, #tpu.memory_space<vmem>>, vector<1x16xf32>,
        %swap3A_165 = vector.shape_cast %swap3A_164 : vector<1x16xf32> to vector<16xf32>
        %swap3A_166 = vector.shape_cast %mul3A_161 : vector<16xf32> to vector<1x16xf32>
        tpu.vector_store %arg13[%swap3A_162, %swap3A_163], %swap3A_166 {add = true, strides = array<i32>} : memref<320x256xf32, #tpu.memory_space<vmem>>, vector<1x16xf32>,
        %get3A_167 = arith.index_cast %sub3A_102 : i32 to index
        %get3A_168 = arith.constant 80 : index
        %get3A_169 = tpu.vector_load %arg12[%get3A_167, %get3A_168] {strides = array<i32>} : memref<128x256xf32, #tpu.memory_space<vmem>>, vector<1x16xf32>,
        %get3A_170 = vector.shape_cast %get3A_169 : vector<1x16xf32> to vector<16xf32>
        %mul3A_171 = vector.broadcast %squeeze3A_107 : f32 to vector<16xf32>
        %mul3A_172 = arith.mulf %mul3A_171, %get3A_170 : vector<16xf32>
        %swap3A_173 = arith.index_cast %squeeze3A_112 : i32 to index
        %swap3A_174 = arith.constant 80 : index
        %swap3A_175 = tpu.vector_load %arg13[%swap3A_173, %swap3A_174] {strides = array<i32>} : memref<320x256xf32, #tpu.memory_space<vmem>>, vector<1x16xf32>,
        %swap3A_176 = vector.shape_cast %swap3A_175 : vector<1x16xf32> to vector<16xf32>
        %swap3A_177 = vector.shape_cast %mul3A_172 : vector<16xf32> to vector<1x16xf32>
        tpu.vector_store %arg13[%swap3A_173, %swap3A_174], %swap3A_177 {add = true, strides = array<i32>} : memref<320x256xf32, #tpu.memory_space<vmem>>, vector<1x16xf32>,
        %get3A_178 = arith.index_cast %sub3A_102 : i32 to index
        %get3A_179 = arith.constant 96 : index
        %get3A_180 = tpu.vector_load %arg12[%get3A_178, %get3A_179] {strides = array<i32>} : memref<128x256xf32, #tpu.memory_space<vmem>>, vector<1x16xf32>,
        %get3A_181 = vector.shape_cast %get3A_180 : vector<1x16xf32> to vector<16xf32>
        %mul3A_182 = vector.broadcast %squeeze3A_107 : f32 to vector<16xf32>
        %mul3A_183 = arith.mulf %mul3A_182, %get3A_181 : vector<16xf32>
        %swap3A_184 = arith.index_cast %squeeze3A_112 : i32 to index
        %swap3A_185 = arith.constant 96 : index
        %swap3A_186 = tpu.vector_load %arg13[%swap3A_184, %swap3A_185] {strides = array<i32>} : memref<320x256xf32, #tpu.memory_space<vmem>>, vector<1x16xf32>,
        %swap3A_187 = vector.shape_cast %swap3A_186 : vector<1x16xf32> to vector<16xf32>
        %swap3A_188 = vector.shape_cast %mul3A_183 : vector<16xf32> to vector<1x16xf32>
        tpu.vector_store %arg13[%swap3A_184, %swap3A_185], %swap3A_188 {add = true, strides = array<i32>} : memref<320x256xf32, #tpu.memory_space<vmem>>, vector<1x16xf32>,
        %get3A_189 = arith.index_cast %sub3A_102 : i32 to index
        %get3A_190 = arith.constant 112 : index
        %get3A_191 = tpu.vector_load %arg12[%get3A_189, %get3A_190] {strides = array<i32>} : memref<128x256xf32, #tpu.memory_space<vmem>>, vector<1x16xf32>,
        %get3A_192 = vector.shape_cast %get3A_191 : vector<1x16xf32> to vector<16xf32>
        %mul3A_193 = vector.broadcast %squeeze3A_107 : f32 to vector<16xf32>
        %mul3A_194 = arith.mulf %mul3A_193, %get3A_192 : vector<16xf32>
        %swap3A_195 = arith.index_cast %squeeze3A_112 : i32 to index
        %swap3A_196 = arith.constant 112 : index
        %swap3A_197 = tpu.vector_load %arg13[%swap3A_195, %swap3A_196] {strides = array<i32>} : memref<320x256xf32, #tpu.memory_space<vmem>>, vector<1x16xf32>,
        %swap3A_198 = vector.shape_cast %swap3A_197 : vector<1x16xf32> to vector<16xf32>
        %swap3A_199 = vector.shape_cast %mul3A_194 : vector<16xf32> to vector<1x16xf32>
        tpu.vector_store %arg13[%swap3A_195, %swap3A_196], %swap3A_199 {add = true, strides = array<i32>} : memref<320x256xf32, #tpu.memory_space<vmem>>, vector<1x16xf32>,
        %get3A_200 = arith.index_cast %sub3A_102 : i32 to index
        %get3A_201 = arith.constant 128 : index
        %get3A_202 = tpu.vector_load %arg12[%get3A_200, %get3A_201] {strides = array<i32>} : memref<128x256xf32, #tpu.memory_space<vmem>>, vector<1x16xf32>,
        %get3A_203 = vector.shape_cast %get3A_202 : vector<1x16xf32> to vector<16xf32>
        %mul3A_204 = vector.broadcast %squeeze3A_107 : f32 to vector<16xf32>
        %mul3A_205 = arith.mulf %mul3A_204, %get3A_203 : vector<16xf32>
        %swap3A_206 = arith.index_cast %squeeze3A_112 : i32 to index
        %swap3A_207 = arith.constant 128 : index
        %swap3A_208 = tpu.vector_load %arg13[%swap3A_206, %swap3A_207] {strides = array<i32>} : memref<320x256xf32, #tpu.memory_space<vmem>>, vector<1x16xf32>,
        %swap3A_209 = vector.shape_cast %swap3A_208 : vector<1x16xf32> to vector<16xf32>
        %swap3A_210 = vector.shape_cast %mul3A_205 : vector<16xf32> to vector<1x16xf32>
        tpu.vector_store %arg13[%swap3A_206, %swap3A_207], %swap3A_210 {add = true, strides = array<i32>} : memref<320x256xf32, #tpu.memory_space<vmem>>, vector<1x16xf32>,
        %get3A_211 = arith.index_cast %sub3A_102 : i32 to index
        %get3A_212 = arith.constant 144 : index
        %get3A_213 = tpu.vector_load %arg12[%get3A_211, %get3A_212] {strides = array<i32>} : memref<128x256xf32, #tpu.memory_space<vmem>>, vector<1x16xf32>,
        %get3A_214 = vector.shape_cast %get3A_213 : vector<1x16xf32> to vector<16xf32>
        %mul3A_215 = vector.broadcast %squeeze3A_107 : f32 to vector<16xf32>
        %mul3A_216 = arith.mulf %mul3A_215, %get3A_214 : vector<16xf32>
        %swap3A_217 = arith.index_cast %squeeze3A_112 : i32 to index
        %swap3A_218 = arith.constant 144 : index
        %swap3A_219 = tpu.vector_load %arg13[%swap3A_217, %swap3A_218] {strides = array<i32>} : memref<320x256xf32, #tpu.memory_space<vmem>>, vector<1x16xf32>,
        %swap3A_220 = vector.shape_cast %swap3A_219 : vector<1x16xf32> to vector<16xf32>
        %swap3A_221 = vector.shape_cast %mul3A_216 : vector<16xf32> to vector<1x16xf32>
        tpu.vector_store %arg13[%swap3A_217, %swap3A_218], %swap3A_221 {add = true, strides = array<i32>} : memref<320x256xf32, #tpu.memory_space<vmem>>, vector<1x16xf32>,
        %get3A_222 = arith.index_cast %sub3A_102 : i32 to index
        %get3A_223 = arith.constant 160 : index
        %get3A_224 = tpu.vector_load %arg12[%get3A_222, %get3A_223] {strides = array<i32>} : memref<128x256xf32, #tpu.memory_space<vmem>>, vector<1x16xf32>,
        %get3A_225 = vector.shape_cast %get3A_224 : vector<1x16xf32> to vector<16xf32>
        %mul3A_226 = vector.broadcast %squeeze3A_107 : f32 to vector<16xf32>
        %mul3A_227 = arith.mulf %mul3A_226, %get3A_225 : vector<16xf32>
        %swap3A_228 = arith.index_cast %squeeze3A_112 : i32 to index
        %swap3A_229 = arith.constant 160 : index
        %swap3A_230 = tpu.vector_load %arg13[%swap3A_228, %swap3A_229] {strides = array<i32>} : memref<320x256xf32, #tpu.memory_space<vmem>>, vector<1x16xf32>,
        %swap3A_231 = vector.shape_cast %swap3A_230 : vector<1x16xf32> to vector<16xf32>
        %swap3A_232 = vector.shape_cast %mul3A_227 : vector<16xf32> to vector<1x16xf32>
        tpu.vector_store %arg13[%swap3A_228, %swap3A_229], %swap3A_232 {add = true, strides = array<i32>} : memref<320x256xf32, #tpu.memory_space<vmem>>, vector<1x16xf32>,
        %get3A_233 = arith.index_cast %sub3A_102 : i32 to index
        %get3A_234 = arith.constant 176 : index
        %get3A_235 = tpu.vector_load %arg12[%get3A_233, %get3A_234] {strides = array<i32>} : memref<128x256xf32, #tpu.memory_space<vmem>>, vector<1x16xf32>,
        %get3A_236 = vector.shape_cast %get3A_235 : vector<1x16xf32> to vector<16xf32>
        %mul3A_237 = vector.broadcast %squeeze3A_107 : f32 to vector<16xf32>
        %mul3A_238 = arith.mulf %mul3A_237, %get3A_236 : vector<16xf32>
        %swap3A_239 = arith.index_cast %squeeze3A_112 : i32 to index
        %swap3A_240 = arith.constant 176 : index
        %swap3A_241 = tpu.vector_load %arg13[%swap3A_239, %swap3A_240] {strides = array<i32>} : memref<320x256xf32, #tpu.memory_space<vmem>>, vector<1x16xf32>,
        %swap3A_242 = vector.shape_cast %swap3A_241 : vector<1x16xf32> to vector<16xf32>
        %swap3A_243 = vector.shape_cast %mul3A_238 : vector<16xf32> to vector<1x16xf32>
        tpu.vector_store %arg13[%swap3A_239, %swap3A_240], %swap3A_243 {add = true, strides = array<i32>} : memref<320x256xf32, #tpu.memory_space<vmem>>, vector<1x16xf32>,
        %get3A_244 = arith.index_cast %sub3A_102 : i32 to index
        %get3A_245 = arith.constant 192 : index
        %get3A_246 = tpu.vector_load %arg12[%get3A_244, %get3A_245] {strides = array<i32>} : memref<128x256xf32, #tpu.memory_space<vmem>>, vector<1x16xf32>,
        %get3A_247 = vector.shape_cast %get3A_246 : vector<1x16xf32> to vector<16xf32>
        %mul3A_248 = vector.broadcast %squeeze3A_107 : f32 to vector<16xf32>
        %mul3A_249 = arith.mulf %mul3A_248, %get3A_247 : vector<16xf32>
        %swap3A_250 = arith.index_cast %squeeze3A_112 : i32 to index
        %swap3A_251 = arith.constant 192 : index
        %swap3A_252 = tpu.vector_load %arg13[%swap3A_250, %swap3A_251] {strides = array<i32>} : memref<320x256xf32, #tpu.memory_space<vmem>>, vector<1x16xf32>,
        %swap3A_253 = vector.shape_cast %swap3A_252 : vector<1x16xf32> to vector<16xf32>
        %swap3A_254 = vector.shape_cast %mul3A_249 : vector<16xf32> to vector<1x16xf32>
        tpu.vector_store %arg13[%swap3A_250, %swap3A_251], %swap3A_254 {add = true, strides = array<i32>} : memref<320x256xf32, #tpu.memory_space<vmem>>, vector<1x16xf32>,
        %get3A_255 = arith.index_cast %sub3A_102 : i32 to index
        %get3A_256 = arith.constant 208 : index
        %get3A_257 = tpu.vector_load %arg12[%get3A_255, %get3A_256] {strides = array<i32>} : memref<128x256xf32, #tpu.memory_space<vmem>>, vector<1x16xf32>,
        %get3A_258 = vector.shape_cast %get3A_257 : vector<1x16xf32> to vector<16xf32>
        %mul3A_259 = vector.broadcast %squeeze3A_107 : f32 to vector<16xf32>
        %mul3A_260 = arith.mulf %mul3A_259, %get3A_258 : vector<16xf32>
        %swap3A_261 = arith.index_cast %squeeze3A_112 : i32 to index
        %swap3A_262 = arith.constant 208 : index
        %swap3A_263 = tpu.vector_load %arg13[%swap3A_261, %swap3A_262] {strides = array<i32>} : memref<320x256xf32, #tpu.memory_space<vmem>>, vector<1x16xf32>,
        %swap3A_264 = vector.shape_cast %swap3A_263 : vector<1x16xf32> to vector<16xf32>
        %swap3A_265 = vector.shape_cast %mul3A_260 : vector<16xf32> to vector<1x16xf32>
        tpu.vector_store %arg13[%swap3A_261, %swap3A_262], %swap3A_265 {add = true, strides = array<i32>} : memref<320x256xf32, #tpu.memory_space<vmem>>, vector<1x16xf32>,
        %get3A_266 = arith.index_cast %sub3A_102 : i32 to index
        %get3A_267 = arith.constant 224 : index
        %get3A_268 = tpu.vector_load %arg12[%get3A_266, %get3A_267] {strides = array<i32>} : memref<128x256xf32, #tpu.memory_space<vmem>>, vector<1x16xf32>,
        %get3A_269 = vector.shape_cast %get3A_268 : vector<1x16xf32> to vector<16xf32>
        %mul3A_270 = vector.broadcast %squeeze3A_107 : f32 to vector<16xf32>
        %mul3A_271 = arith.mulf %mul3A_270, %get3A_269 : vector<16xf32>
        %swap3A_272 = arith.index_cast %squeeze3A_112 : i32 to index
        %swap3A_273 = arith.constant 224 : index
        %swap3A_274 = tpu.vector_load %arg13[%swap3A_272, %swap3A_273] {strides = array<i32>} : memref<320x256xf32, #tpu.memory_space<vmem>>, vector<1x16xf32>,
        %swap3A_275 = vector.shape_cast %swap3A_274 : vector<1x16xf32> to vector<16xf32>
        %swap3A_276 = vector.shape_cast %mul3A_271 : vector<16xf32> to vector<1x16xf32>
        tpu.vector_store %arg13[%swap3A_272, %swap3A_273], %swap3A_276 {add = true, strides = array<i32>} : memref<320x256xf32, #tpu.memory_space<vmem>>, vector<1x16xf32>,
        %get3A_277 = arith.index_cast %sub3A_102 : i32 to index
        %get3A_278 = arith.constant 240 : index
        %get3A_279 = tpu.vector_load %arg12[%get3A_277, %get3A_278] {strides = array<i32>} : memref<128x256xf32, #tpu.memory_space<vmem>>, vector<1x16xf32>,
        %get3A_280 = vector.shape_cast %get3A_279 : vector<1x16xf32> to vector<16xf32>
        %mul3A_281 = vector.broadcast %squeeze3A_107 : f32 to vector<16xf32>
        %mul3A_282 = arith.mulf %mul3A_281, %get3A_280 : vector<16xf32>
        %swap3A_283 = arith.index_cast %squeeze3A_112 : i32 to index
        %swap3A_284 = arith.constant 240 : index
        %swap3A_285 = tpu.vector_load %arg13[%swap3A_283, %swap3A_284] {strides = array<i32>} : memref<320x256xf32, #tpu.memory_space<vmem>>, vector<1x16xf32>,
        %swap3A_286 = vector.shape_cast %swap3A_285 : vector<1x16xf32> to vector<16xf32>
        %swap3A_287 = vector.shape_cast %mul3A_282 : vector<16xf32> to vector<1x16xf32>
        tpu.vector_store %arg13[%swap3A_283, %swap3A_284], %swap3A_287 {add = true, strides = array<i32>} : memref<320x256xf32, #tpu.memory_space<vmem>>, vector<1x16xf32>,
        %while3A_288 = arith.constant 0 : i32
        scf.yield %while3A_288 : i32
      }
      %while3A_97 = arith.constant 1 : i32
      %while3A_98 = scf.for %while3A_100 = %while3A_94 to %while3A_90 step %while3A_97 iter_args(%while3A_101 = %while3A_96) -> (i32)  : i32 {
        %sub3A_102 = arith.subi %while3A_100, %add3A_81 : i32
        %get3A_103 = arith.index_cast %sub3A_102 : i32 to index
        %get3A_104 = tpu.vector_load %arg10[%get3A_103] {strides = array<i32>} : memref<144xf32, #tpu.memory_space<vmem>>, vector<16xf32>,
        %get3A_105 = vector.shape_cast %get3A_104 : vector<16xf32> to vector<16xf32>
        %slice3A_106 = vector.extract_strided_slice %get3A_105 {offsets = [0], sizes = [1], strides = [1]} : vector<16xf32> to vector<1xf32>
        %squeeze3A_107 = vector.extract %slice3A_106[0] : f32 from vector<1xf32>
        %get3A_108 = arith.index_cast %sub3A_102 : i32 to index
        %get3A_109 = tpu.vector_load %arg11[%get3A_108] {strides = array<i32>} : memref<144xi32, #tpu.memory_space<vmem>>, vector<16xi32>,
        %get3A_110 = vector.shape_cast %get3A_109 : vector<16xi32> to vector<16xi32>
        %slice3A_111 = vector.extract_strided_slice %get3A_110 {offsets = [0], sizes = [1], strides = [1]} : vector<16xi32> to vector<1xi32>
        %squeeze3A_112 = vector.extract %slice3A_111[0] : i32 from vector<1xi32>
        %get3A_113 = arith.index_cast %sub3A_102 : i32 to index
        %get3A_114 = arith.constant 0 : index
        %get3A_115 = tpu.vector_load %arg12[%get3A_113, %get3A_114] {strides = array<i32>} : memref<128x256xf32, #tpu.memory_space<vmem>>, vector<1x16xf32>,
        %get3A_116 = vector.shape_cast %get3A_115 : vector<1x16xf32> to vector<16xf32>
        %mul3A_117 = vector.broadcast %squeeze3A_107 : f32 to vector<16xf32>
        %mul3A_118 = arith.mulf %mul3A_117, %get3A_116 : vector<16xf32>
        %swap3A = arith.index_cast %squeeze3A_112 : i32 to index
        %swap3A_119 = arith.constant 0 : index
        %swap3A_120 = tpu.vector_load %arg13[%swap3A, %swap3A_119] {strides = array<i32>} : memref<320x256xf32, #tpu.memory_space<vmem>>, vector<1x16xf32>,
        %swap3A_121 = vector.shape_cast %swap3A_120 : vector<1x16xf32> to vector<16xf32>
        %swap3A_122 = vector.shape_cast %mul3A_118 : vector<16xf32> to vector<1x16xf32>
        tpu.vector_store %arg13[%swap3A, %swap3A_119], %swap3A_122 {add = true, strides = array<i32>} : memref<320x256xf32, #tpu.memory_space<vmem>>, vector<1x16xf32>,
        %get3A_123 = arith.index_cast %sub3A_102 : i32 to index
        %get3A_124 = arith.constant 16 : index
        %get3A_125 = tpu.vector_load %arg12[%get3A_123, %get3A_124] {strides = array<i32>} : memref<128x256xf32, #tpu.memory_space<vmem>>, vector<1x16xf32>,
        %get3A_126 = vector.shape_cast %get3A_125 : vector<1x16xf32> to vector<16xf32>
        %mul3A_127 = vector.broadcast %squeeze3A_107 : f32 to vector<16xf32>
        %mul3A_128 = arith.mulf %mul3A_127, %get3A_126 : vector<16xf32>
        %swap3A_129 = arith.index_cast %squeeze3A_112 : i32 to index
        %swap3A_130 = arith.constant 16 : index
        %swap3A_131 = tpu.vector_load %arg13[%swap3A_129, %swap3A_130] {strides = array<i32>} : memref<320x256xf32, #tpu.memory_space<vmem>>, vector<1x16xf32>,
        %swap3A_132 = vector.shape_cast %swap3A_131 : vector<1x16xf32> to vector<16xf32>
        %swap3A_133 = vector.shape_cast %mul3A_128 : vector<16xf32> to vector<1x16xf32>
        tpu.vector_store %arg13[%swap3A_129, %swap3A_130], %swap3A_133 {add = true, strides = array<i32>} : memref<320x256xf32, #tpu.memory_space<vmem>>, vector<1x16xf32>,
        %get3A_134 = arith.index_cast %sub3A_102 : i32 to index
        %get3A_135 = arith.constant 32 : index
        %get3A_136 = tpu.vector_load %arg12[%get3A_134, %get3A_135] {strides = array<i32>} : memref<128x256xf32, #tpu.memory_space<vmem>>, vector<1x16xf32>,
        %get3A_137 = vector.shape_cast %get3A_136 : vector<1x16xf32> to vector<16xf32>
        %mul3A_138 = vector.broadcast %squeeze3A_107 : f32 to vector<16xf32>
        %mul3A_139 = arith.mulf %mul3A_138, %get3A_137 : vector<16xf32>
        %swap3A_140 = arith.index_cast %squeeze3A_112 : i32 to index
        %swap3A_141 = arith.constant 32 : index
        %swap3A_142 = tpu.vector_load %arg13[%swap3A_140, %swap3A_141] {strides = array<i32>} : memref<320x256xf32, #tpu.memory_space<vmem>>, vector<1x16xf32>,
        %swap3A_143 = vector.shape_cast %swap3A_142 : vector<1x16xf32> to vector<16xf32>
        %swap3A_144 = vector.shape_cast %mul3A_139 : vector<16xf32> to vector<1x16xf32>
        tpu.vector_store %arg13[%swap3A_140, %swap3A_141], %swap3A_144 {add = true, strides = array<i32>} : memref<320x256xf32, #tpu.memory_space<vmem>>, vector<1x16xf32>,
        %get3A_145 = arith.index_cast %sub3A_102 : i32 to index
        %get3A_146 = arith.constant 48 : index
        %get3A_147 = tpu.vector_load %arg12[%get3A_145, %get3A_146] {strides = array<i32>} : memref<128x256xf32, #tpu.memory_space<vmem>>, vector<1x16xf32>,
        %get3A_148 = vector.shape_cast %get3A_147 : vector<1x16xf32> to vector<16xf32>
        %mul3A_149 = vector.broadcast %squeeze3A_107 : f32 to vector<16xf32>
        %mul3A_150 = arith.mulf %mul3A_149, %get3A_148 : vector<16xf32>
        %swap3A_151 = arith.index_cast %squeeze3A_112 : i32 to index
        %swap3A_152 = arith.constant 48 : index
        %swap3A_153 = tpu.vector_load %arg13[%swap3A_151, %swap3A_152] {strides = array<i32>} : memref<320x256xf32, #tpu.memory_space<vmem>>, vector<1x16xf32>,
        %swap3A_154 = vector.shape_cast %swap3A_153 : vector<1x16xf32> to vector<16xf32>
        %swap3A_155 = vector.shape_cast %mul3A_150 : vector<16xf32> to vector<1x16xf32>
        tpu.vector_store %arg13[%swap3A_151, %swap3A_152], %swap3A_155 {add = true, strides = array<i32>} : memref<320x256xf32, #tpu.memory_space<vmem>>, vector<1x16xf32>,
        %get3A_156 = arith.index_cast %sub3A_102 : i32 to index
        %get3A_157 = arith.constant 64 : index
        %get3A_158 = tpu.vector_load %arg12[%get3A_156, %get3A_157] {strides = array<i32>} : memref<128x256xf32, #tpu.memory_space<vmem>>, vector<1x16xf32>,
        %get3A_159 = vector.shape_cast %get3A_158 : vector<1x16xf32> to vector<16xf32>
        %mul3A_160 = vector.broadcast %squeeze3A_107 : f32 to vector<16xf32>
        %mul3A_161 = arith.mulf %mul3A_160, %get3A_159 : vector<16xf32>
        %swap3A_162 = arith.index_cast %squeeze3A_112 : i32 to index
        %swap3A_163 = arith.constant 64 : index
        %swap3A_164 = tpu.vector_load %arg13[%swap3A_162, %swap3A_163] {strides = array<i32>} : memref<320x256xf32, #tpu.memory_space<vmem>>, vector<1x16xf32>,
        %swap3A_165 = vector.shape_cast %swap3A_164 : vector<1x16xf32> to vector<16xf32>
        %swap3A_166 = vector.shape_cast %mul3A_161 : vector<16xf32> to vector<1x16xf32>
        tpu.vector_store %arg13[%swap3A_162, %swap3A_163], %swap3A_166 {add = true, strides = array<i32>} : memref<320x256xf32, #tpu.memory_space<vmem>>, vector<1x16xf32>,
        %get3A_167 = arith.index_cast %sub3A_102 : i32 to index
        %get3A_168 = arith.constant 80 : index
        %get3A_169 = tpu.vector_load %arg12[%get3A_167, %get3A_168] {strides = array<i32>} : memref<128x256xf32, #tpu.memory_space<vmem>>, vector<1x16xf32>,
        %get3A_170 = vector.shape_cast %get3A_169 : vector<1x16xf32> to vector<16xf32>
        %mul3A_171 = vector.broadcast %squeeze3A_107 : f32 to vector<16xf32>
        %mul3A_172 = arith.mulf %mul3A_171, %get3A_170 : vector<16xf32>
        %swap3A_173 = arith.index_cast %squeeze3A_112 : i32 to index
        %swap3A_174 = arith.constant 80 : index
        %swap3A_175 = tpu.vector_load %arg13[%swap3A_173, %swap3A_174] {strides = array<i32>} : memref<320x256xf32, #tpu.memory_space<vmem>>, vector<1x16xf32>,
        %swap3A_176 = vector.shape_cast %swap3A_175 : vector<1x16xf32> to vector<16xf32>
        %swap3A_177 = vector.shape_cast %mul3A_172 : vector<16xf32> to vector<1x16xf32>
        tpu.vector_store %arg13[%swap3A_173, %swap3A_174], %swap3A_177 {add = true, strides = array<i32>} : memref<320x256xf32, #tpu.memory_space<vmem>>, vector<1x16xf32>,
        %get3A_178 = arith.index_cast %sub3A_102 : i32 to index
        %get3A_179 = arith.constant 96 : index
        %get3A_180 = tpu.vector_load %arg12[%get3A_178, %get3A_179] {strides = array<i32>} : memref<128x256xf32, #tpu.memory_space<vmem>>, vector<1x16xf32>,
        %get3A_181 = vector.shape_cast %get3A_180 : vector<1x16xf32> to vector<16xf32>
        %mul3A_182 = vector.broadcast %squeeze3A_107 : f32 to vector<16xf32>
        %mul3A_183 = arith.mulf %mul3A_182, %get3A_181 : vector<16xf32>
        %swap3A_184 = arith.index_cast %squeeze3A_112 : i32 to index
        %swap3A_185 = arith.constant 96 : index
        %swap3A_186 = tpu.vector_load %arg13[%swap3A_184, %swap3A_185] {strides = array<i32>} : memref<320x256xf32, #tpu.memory_space<vmem>>, vector<1x16xf32>,
        %swap3A_187 = vector.shape_cast %swap3A_186 : vector<1x16xf32> to vector<16xf32>
        %swap3A_188 = vector.shape_cast %mul3A_183 : vector<16xf32> to vector<1x16xf32>
        tpu.vector_store %arg13[%swap3A_184, %swap3A_185], %swap3A_188 {add = true, strides = array<i32>} : memref<320x256xf32, #tpu.memory_space<vmem>>, vector<1x16xf32>,
        %get3A_189 = arith.index_cast %sub3A_102 : i32 to index
        %get3A_190 = arith.constant 112 : index
        %get3A_191 = tpu.vector_load %arg12[%get3A_189, %get3A_190] {strides = array<i32>} : memref<128x256xf32, #tpu.memory_space<vmem>>, vector<1x16xf32>,
        %get3A_192 = vector.shape_cast %get3A_191 : vector<1x16xf32> to vector<16xf32>
        %mul3A_193 = vector.broadcast %squeeze3A_107 : f32 to vector<16xf32>
        %mul3A_194 = arith.mulf %mul3A_193, %get3A_192 : vector<16xf32>
        %swap3A_195 = arith.index_cast %squeeze3A_112 : i32 to index
        %swap3A_196 = arith.constant 112 : index
        %swap3A_197 = tpu.vector_load %arg13[%swap3A_195, %swap3A_196] {strides = array<i32>} : memref<320x256xf32, #tpu.memory_space<vmem>>, vector<1x16xf32>,
        %swap3A_198 = vector.shape_cast %swap3A_197 : vector<1x16xf32> to vector<16xf32>
        %swap3A_199 = vector.shape_cast %mul3A_194 : vector<16xf32> to vector<1x16xf32>
        tpu.vector_store %arg13[%swap3A_195, %swap3A_196], %swap3A_199 {add = true, strides = array<i32>} : memref<320x256xf32, #tpu.memory_space<vmem>>, vector<1x16xf32>,
        %get3A_200 = arith.index_cast %sub3A_102 : i32 to index
        %get3A_201 = arith.constant 128 : index
        %get3A_202 = tpu.vector_load %arg12[%get3A_200, %get3A_201] {strides = array<i32>} : memref<128x256xf32, #tpu.memory_space<vmem>>, vector<1x16xf32>,
        %get3A_203 = vector.shape_cast %get3A_202 : vector<1x16xf32> to vector<16xf32>
        %mul3A_204 = vector.broadcast %squeeze3A_107 : f32 to vector<16xf32>
        %mul3A_205 = arith.mulf %mul3A_204, %get3A_203 : vector<16xf32>
        %swap3A_206 = arith.index_cast %squeeze3A_112 : i32 to index
        %swap3A_207 = arith.constant 128 : index
        %swap3A_208 = tpu.vector_load %arg13[%swap3A_206, %swap3A_207] {strides = array<i32>} : memref<320x256xf32, #tpu.memory_space<vmem>>, vector<1x16xf32>,
        %swap3A_209 = vector.shape_cast %swap3A_208 : vector<1x16xf32> to vector<16xf32>
        %swap3A_210 = vector.shape_cast %mul3A_205 : vector<16xf32> to vector<1x16xf32>
        tpu.vector_store %arg13[%swap3A_206, %swap3A_207], %swap3A_210 {add = true, strides = array<i32>} : memref<320x256xf32, #tpu.memory_space<vmem>>, vector<1x16xf32>,
        %get3A_211 = arith.index_cast %sub3A_102 : i32 to index
        %get3A_212 = arith.constant 144 : index
        %get3A_213 = tpu.vector_load %arg12[%get3A_211, %get3A_212] {strides = array<i32>} : memref<128x256xf32, #tpu.memory_space<vmem>>, vector<1x16xf32>,
        %get3A_214 = vector.shape_cast %get3A_213 : vector<1x16xf32> to vector<16xf32>
        %mul3A_215 = vector.broadcast %squeeze3A_107 : f32 to vector<16xf32>
        %mul3A_216 = arith.mulf %mul3A_215, %get3A_214 : vector<16xf32>
        %swap3A_217 = arith.index_cast %squeeze3A_112 : i32 to index
        %swap3A_218 = arith.constant 144 : index
        %swap3A_219 = tpu.vector_load %arg13[%swap3A_217, %swap3A_218] {strides = array<i32>} : memref<320x256xf32, #tpu.memory_space<vmem>>, vector<1x16xf32>,
        %swap3A_220 = vector.shape_cast %swap3A_219 : vector<1x16xf32> to vector<16xf32>
        %swap3A_221 = vector.shape_cast %mul3A_216 : vector<16xf32> to vector<1x16xf32>
        tpu.vector_store %arg13[%swap3A_217, %swap3A_218], %swap3A_221 {add = true, strides = array<i32>} : memref<320x256xf32, #tpu.memory_space<vmem>>, vector<1x16xf32>,
        %get3A_222 = arith.index_cast %sub3A_102 : i32 to index
        %get3A_223 = arith.constant 160 : index
        %get3A_224 = tpu.vector_load %arg12[%get3A_222, %get3A_223] {strides = array<i32>} : memref<128x256xf32, #tpu.memory_space<vmem>>, vector<1x16xf32>,
        %get3A_225 = vector.shape_cast %get3A_224 : vector<1x16xf32> to vector<16xf32>
        %mul3A_226 = vector.broadcast %squeeze3A_107 : f32 to vector<16xf32>
        %mul3A_227 = arith.mulf %mul3A_226, %get3A_225 : vector<16xf32>
        %swap3A_228 = arith.index_cast %squeeze3A_112 : i32 to index
        %swap3A_229 = arith.constant 160 : index
        %swap3A_230 = tpu.vector_load %arg13[%swap3A_228, %swap3A_229] {strides = array<i32>} : memref<320x256xf32, #tpu.memory_space<vmem>>, vector<1x16xf32>,
        %swap3A_231 = vector.shape_cast %swap3A_230 : vector<1x16xf32> to vector<16xf32>
        %swap3A_232 = vector.shape_cast %mul3A_227 : vector<16xf32> to vector<1x16xf32>
        tpu.vector_store %arg13[%swap3A_228, %swap3A_229], %swap3A_232 {add = true, strides = array<i32>} : memref<320x256xf32, #tpu.memory_space<vmem>>, vector<1x16xf32>,
        %get3A_233 = arith.index_cast %sub3A_102 : i32 to index
        %get3A_234 = arith.constant 176 : index
        %get3A_235 = tpu.vector_load %arg12[%get3A_233, %get3A_234] {strides = array<i32>} : memref<128x256xf32, #tpu.memory_space<vmem>>, vector<1x16xf32>,
        %get3A_236 = vector.shape_cast %get3A_235 : vector<1x16xf32> to vector<16xf32>
        %mul3A_237 = vector.broadcast %squeeze3A_107 : f32 to vector<16xf32>
        %mul3A_238 = arith.mulf %mul3A_237, %get3A_236 : vector<16xf32>
        %swap3A_239 = arith.index_cast %squeeze3A_112 : i32 to index
        %swap3A_240 = arith.constant 176 : index
        %swap3A_241 = tpu.vector_load %arg13[%swap3A_239, %swap3A_240] {strides = array<i32>} : memref<320x256xf32, #tpu.memory_space<vmem>>, vector<1x16xf32>,
        %swap3A_242 = vector.shape_cast %swap3A_241 : vector<1x16xf32> to vector<16xf32>
        %swap3A_243 = vector.shape_cast %mul3A_238 : vector<16xf32> to vector<1x16xf32>
        tpu.vector_store %arg13[%swap3A_239, %swap3A_240], %swap3A_243 {add = true, strides = array<i32>} : memref<320x256xf32, #tpu.memory_space<vmem>>, vector<1x16xf32>,
        %get3A_244 = arith.index_cast %sub3A_102 : i32 to index
        %get3A_245 = arith.constant 192 : index
        %get3A_246 = tpu.vector_load %arg12[%get3A_244, %get3A_245] {strides = array<i32>} : memref<128x256xf32, #tpu.memory_space<vmem>>, vector<1x16xf32>,
        %get3A_247 = vector.shape_cast %get3A_246 : vector<1x16xf32> to vector<16xf32>
        %mul3A_248 = vector.broadcast %squeeze3A_107 : f32 to vector<16xf32>
        %mul3A_249 = arith.mulf %mul3A_248, %get3A_247 : vector<16xf32>
        %swap3A_250 = arith.index_cast %squeeze3A_112 : i32 to index
        %swap3A_251 = arith.constant 192 : index
        %swap3A_252 = tpu.vector_load %arg13[%swap3A_250, %swap3A_251] {strides = array<i32>} : memref<320x256xf32, #tpu.memory_space<vmem>>, vector<1x16xf32>,
        %swap3A_253 = vector.shape_cast %swap3A_252 : vector<1x16xf32> to vector<16xf32>
        %swap3A_254 = vector.shape_cast %mul3A_249 : vector<16xf32> to vector<1x16xf32>
        tpu.vector_store %arg13[%swap3A_250, %swap3A_251], %swap3A_254 {add = true, strides = array<i32>} : memref<320x256xf32, #tpu.memory_space<vmem>>, vector<1x16xf32>,
        %get3A_255 = arith.index_cast %sub3A_102 : i32 to index
        %get3A_256 = arith.constant 208 : index
        %get3A_257 = tpu.vector_load %arg12[%get3A_255, %get3A_256] {strides = array<i32>} : memref<128x256xf32, #tpu.memory_space<vmem>>, vector<1x16xf32>,
        %get3A_258 = vector.shape_cast %get3A_257 : vector<1x16xf32> to vector<16xf32>
        %mul3A_259 = vector.broadcast %squeeze3A_107 : f32 to vector<16xf32>
        %mul3A_260 = arith.mulf %mul3A_259, %get3A_258 : vector<16xf32>
        %swap3A_261 = arith.index_cast %squeeze3A_112 : i32 to index
        %swap3A_262 = arith.constant 208 : index
        %swap3A_263 = tpu.vector_load %arg13[%swap3A_261, %swap3A_262] {strides = array<i32>} : memref<320x256xf32, #tpu.memory_space<vmem>>, vector<1x16xf32>,
        %swap3A_264 = vector.shape_cast %swap3A_263 : vector<1x16xf32> to vector<16xf32>
        %swap3A_265 = vector.shape_cast %mul3A_260 : vector<16xf32> to vector<1x16xf32>
        tpu.vector_store %arg13[%swap3A_261, %swap3A_262], %swap3A_265 {add = true, strides = array<i32>} : memref<320x256xf32, #tpu.memory_space<vmem>>, vector<1x16xf32>,
        %get3A_266 = arith.index_cast %sub3A_102 : i32 to index
        %get3A_267 = arith.constant 224 : index
        %get3A_268 = tpu.vector_load %arg12[%get3A_266, %get3A_267] {strides = array<i32>} : memref<128x256xf32, #tpu.memory_space<vmem>>, vector<1x16xf32>,
        %get3A_269 = vector.shape_cast %get3A_268 : vector<1x16xf32> to vector<16xf32>
        %mul3A_270 = vector.broadcast %squeeze3A_107 : f32 to vector<16xf32>
        %mul3A_271 = arith.mulf %mul3A_270, %get3A_269 : vector<16xf32>
        %swap3A_272 = arith.index_cast %squeeze3A_112 : i32 to index
        %swap3A_273 = arith.constant 224 : index
        %swap3A_274 = tpu.vector_load %arg13[%swap3A_272, %swap3A_273] {strides = array<i32>} : memref<320x256xf32, #tpu.memory_space<vmem>>, vector<1x16xf32>,
        %swap3A_275 = vector.shape_cast %swap3A_274 : vector<1x16xf32> to vector<16xf32>
        %swap3A_276 = vector.shape_cast %mul3A_271 : vector<16xf32> to vector<1x16xf32>
        tpu.vector_store %arg13[%swap3A_272, %swap3A_273], %swap3A_276 {add = true, strides = array<i32>} : memref<320x256xf32, #tpu.memory_space<vmem>>, vector<1x16xf32>,
        %get3A_277 = arith.index_cast %sub3A_102 : i32 to index
        %get3A_278 = arith.constant 240 : index
        %get3A_279 = tpu.vector_load %arg12[%get3A_277, %get3A_278] {strides = array<i32>} : memref<128x256xf32, #tpu.memory_space<vmem>>, vector<1x16xf32>,
        %get3A_280 = vector.shape_cast %get3A_279 : vector<1x16xf32> to vector<16xf32>
        %mul3A_281 = vector.broadcast %squeeze3A_107 : f32 to vector<16xf32>
        %mul3A_282 = arith.mulf %mul3A_281, %get3A_280 : vector<16xf32>
        %swap3A_283 = arith.index_cast %squeeze3A_112 : i32 to index
        %swap3A_284 = arith.constant 240 : index
        %swap3A_285 = tpu.vector_load %arg13[%swap3A_283, %swap3A_284] {strides = array<i32>} : memref<320x256xf32, #tpu.memory_space<vmem>>, vector<1x16xf32>,
        %swap3A_286 = vector.shape_cast %swap3A_285 : vector<1x16xf32> to vector<16xf32>
        %swap3A_287 = vector.shape_cast %mul3A_282 : vector<16xf32> to vector<1x16xf32>
        tpu.vector_store %arg13[%swap3A_283, %swap3A_284], %swap3A_287 {add = true, strides = array<i32>} : memref<320x256xf32, #tpu.memory_space<vmem>>, vector<1x16xf32>,
        %while3A_288 = arith.constant 0 : i32
        scf.yield %while3A_288 : i32
      }
      %while3A_99 = arith.constant 0 : i32
      scf.yield %while3A_99 : i32
    }
    "tpu.region"() ({
      %run_scoped3A = tpu.sem_alloc : memref<!tpu.dma_semaphore, #tpu.memory_space<semaphore_mem>>
      %dma_start3A = arith.constant 0 : i32
      %dma_start3A_77 = tpu.memref_slice %arg7[%mul3A_2, %dma_start3A] : memref<10240x256xf32, #tpu.memory_space<hbm>> -> memref<320x256xf32, #tpu.memory_space<hbm>>
      %dma_start3A_78 = arith.constant 0 : i32
      %dma_start3A_79 = tpu.memref_slice %arg7[%mul3A_2, %dma_start3A_78] : memref<10240x256xf32, #tpu.memory_space<hbm>> -> memref<320x256xf32, #tpu.memory_space<hbm>>
      tpu.enqueue_dma source(%arg13 : memref<320x256xf32, #tpu.memory_space<vmem>>) target(%dma_start3A_79 : memref<320x256xf32, #tpu.memory_space<hbm>>) target_semaphore(%run_scoped3A : memref<!tpu.dma_semaphore, #tpu.memory_space<semaphore_mem>>)
      %dma_wait3A = arith.constant 0 : i32
      %dma_wait3A_80 = tpu.memref_slice %arg7[%mul3A_2, %dma_wait3A] : memref<10240x256xf32, #tpu.memory_space<hbm>> -> memref<320x256xf32, #tpu.memory_space<hbm>>
      %dma_wait3A_81 = arith.constant 0 : i32
      %dma_wait3A_82 = tpu.memref_slice %arg7[%mul3A_2, %dma_wait3A_81] : memref<10240x256xf32, #tpu.memory_space<hbm>> -> memref<320x256xf32, #tpu.memory_space<hbm>>
      tpu.wait_dma2 semaphore(%run_scoped3A : memref<!tpu.dma_semaphore, #tpu.memory_space<semaphore_mem>>) src(%arg13 : memref<320x256xf32, #tpu.memory_space<vmem>>) dst(%dma_wait3A_82 : memref<320x256xf32, #tpu.memory_space<hbm>>)
      tpu.yield
    }) : () -> ()
    return
  }
}

</mosaic_0001>

<sc_bundles>
// kernel: _sc_aggregate.3.cloned.1.call-start
scs
__scs_entry_jumppad:
0x0: {  	(pc) =	sbr.rel $0x88, $3  }
0x1: {  	(tag) =	ssettag $0x0;
	lr =	simm.s32 $0x1  }
0x2: {  	[smem:$0x3F9C] =	sst lr;
	_ =	strace $0xD0000000  }
0x3: {  	_ = 	snop  }
0x4: {  	_ = 	snop  }
0x5: {  	_ = 	snop  }
0x6: {  	_ = 	snop  }
0x7: {  	_ = 	snop  }
__scs_overlays_trampoline_lowered:
0x8: {  	[smem:$0x3FAB] =	sst s0  }
0x9: {  	[smem:$0x3FAC] =	sst s1  }
0xa: {  	[smem:$0x3FAD] =	sst s2  }
0xb: {  	[smem:$0x3FAE] =	sst s3  }
0xc: {  	[smem:$0x3FAF] =	sst s4  }
0xd: {  	[smem:$0x3FB0] =	sst s5  }
0xe: {  	[smem:$0x3FB1] =	sst s6  }
0xf: {  	[smem:$0x3FB2] =	sst s7  }
0x10: {  	[smem:$0x3FB3] =	sst s8  }
0x11: {  	[smem:$0x3FB4] =	sst s9;
	s0 =	simm.s32 @!p0 $0x0  }
0x12: {  	s1 =	sld [smem:$0x3F9A];
	s0 =	simm.s32 @p0 $0x1  }
0x13: {  	[smem:$0x3FB5] =	sst s0;
	s0 =	simm.s32 @!p1 $0x0  }
0x14: {  	s2 =	sld [smem:$0x3F99];
	s0 =	simm.s32 @p1 $0x1  }
0x15: {  	[smem:$0x3FB6] =	sst s0;
	s0 =	simm.s32 @!p2 $0x0  }
0x16: {  	s3 =	sld [smem:$0x3FDB];
	s0 =	simm.s32 @p2 $0x1  }
0x17: {  	s4 =	simm.s32 $0x1BF5;
	[smem:$0x3FB8] =	sst s0  }
0x18: {  	s0 =	sld [smem:$0x3F9B];
	_ =	swait.ge [sflag:s4], $0x0  }
0x19: {  	s7 =	sld [smem:$0x3F9C]  }
0x1a: {  	s8 =	sadd.s32 $0xFFFFE003, lr  }
0x1b: {  	s9 =	sadd.s32 $0xFFFFFEF7, lr;
	s5 =	simm.s32 $0xFFFFFFFF;
	p2 =	slt.u32 s8, $0xFFFFF086  }
0x1c: {  	p1 =	slt.u32 s9, $0xF7A;
	s5 =	simm.s32 @!p2 $0x0  }
0x1d: {  	s5 =	simm.s32 @p1 $0x1;
	p0 =	seq.s32 s7, s2  }
0x1e: {  	s7 =	smul.u32 @!p0 $0xF7A, s2;
	p2 =	seq.s32 @!p0 s5, $0x0  }
0x1f: {  	s9 =	smul.u32 $0xF7A, s1;
	s8 =	simm.s32 @!p0 $0x1BF5;
	p2 =	por !p2, p0  }
0x20: {  	[sflag:s8] =	ssyncset.s32 @!p0 $0xFFFFF086;
	s6 =	sadd.s32 @!p0 s3, s7;
	s7 =	simm.s32 @!p0 $0x108  }
0x21: {  	s3 =	sadd.s32 s3, s9;
	s6 =	sadd.s32 @!p0 $0x88, s6;
	s7 =	simm.s32 @p2 $0x1082  }
0x22: {  	[simem:s7], [sflag:s8] =	dma.local @!p0 [hbm:s6], $0xF7A  }
0x23: {  	s9 =	sor.u32 $0xD0000000, s2;
	s6 =	simm.s32 $0x108;
	_ =	swait.ge @!p0 [sflag:s8], $0x0  }
0x24: {  	s3 =	sadd.s32 $0x88, s3;
	s6 =	simm.s32 @!p1 $0x1082;
	[sflag:s4] =	ssyncset.s32 $0xFFFFF086  }
0x25: {  	[simem:s6], [sflag:s4] =	dma.local [hbm:s3], $0xF7A  }
0x26: {  	[smem:$0x3F9C] =	sst s1;
	(tag) =	ssettag s2;
	_ =	strace s9  }
0x27: {  	s1 =	sld [smem:$0x3FAC]  }
0x28: {  	s2 =	sld [smem:$0x3FAD]  }
0x29: {  	s4 =	sld [smem:$0x3FAF]  }
0x2a: {  	p0 =	seq.s32 s5, $0x0;
	s5 =	sld [smem:$0x3FB0]  }
0x2b: {  	s6 =	sld [smem:$0x3FB1]  }
0x2c: {  	s7 =	sld [smem:$0x3FB2]  }
0x2d: {  	s3 =	simm.s32 $0x108;
	s8 =	sld [smem:$0x3FB3]  }
0x2e: {  	s3 =	simm.s32 @!p0 $0x1082;
	s9 =	sld [smem:$0x3FB4]  }
0x2f: {  	lr =	sadd.s32 s0, s3;
	s0 =	sld [smem:$0x3FAB]  }
0x30: {  	s3 =	sld [smem:$0x3FAE]  }
0x31: {  	[smem:$0x3FB7] =	sst s10  }
0x32: {  	s10 =	sld [smem:$0x3FB5];
	_ =	sdelay $0x3  }
0x33: {  	p0 =	seq.s32 s10, $0x1;
	s10 =	sld [smem:$0x3FB7];
	_ =	sdelay $0x3  }
0x34: {  	[smem:$0x3FB7] =	sst s10  }
0x35: {  	s10 =	sld [smem:$0x3FB6];
	_ =	sdelay $0x3  }
0x36: {  	p1 =	seq.s32 s10, $0x1;
	s10 =	sld [smem:$0x3FB7];
	_ =	sdelay $0x3  }
0x37: {  	[smem:$0x3FB7] =	sst s10  }
0x38: {  	s10 =	sld [smem:$0x3FB8]  }
0x39: {  	_ = 	snop;
	(pc) =	sbr.ind lr, $3  }
0x3a: {  	_ = 	snop  }
0x3b: {  	_ = 	snop  }
0x3c: {  	p2 =	seq.s32 s10, $0x1;
	s10 =	sld [smem:$0x3FB7]  }
0x3d: {  	_ =	shalt  }
0x3e: {  	_ =	shalt  }
0x3f: {  	_ =	shalt  }
0x40: {  	_ =	shalt  }
0x41: {  	_ =	shalt  }
0x42: {  	_ =	shalt  }
0x43: {  	_ =	shalt  }
0x44: {  	_ =	shalt  }
0x45: {  	_ =	shalt  }
0x46: {  	_ =	shalt  }
0x47: {  	_ =	shalt  }
0x48: {  	_ =	shalt  }
0x49: {  	_ =	shalt  }
0x4a: {  	_ =	shalt  }
0x4b: {  	_ =	shalt  }
0x4c: {  	_ =	shalt  }
0x4d: {  	_ =	shalt  }
0x4e: {  	_ =	shalt  }
0x4f: {  	_ =	shalt  }
0x50: {  	_ =	shalt  }
0x51: {  	_ =	shalt  }
0x52: {  	_ =	shalt  }
0x53: {  	_ =	shalt  }
0x54: {  	_ =	shalt  }
0x55: {  	_ =	shalt  }
0x56: {  	_ =	shalt  }
0x57: {  	_ =	shalt  }
0x58: {  	_ =	shalt  }
0x59: {  	_ =	shalt  }
0x5a: {  	_ =	shalt  }
0x5b: {  	_ =	shalt  }
0x5c: {  	_ =	shalt  }
0x5d: {  	_ =	shalt  }
0x5e: {  	_ =	shalt  }
0x5f: {  	_ =	shalt  }
0x60: {  	_ =	shalt  }
0x61: {  	_ =	shalt  }
0x62: {  	_ =	shalt  }
0x63: {  	_ =	shalt  }
0x64: {  	_ =	shalt  }
0x65: {  	_ =	shalt  }
0x66: {  	_ =	shalt  }
0x67: {  	_ =	shalt  }
0x68: {  	_ =	shalt  }
0x69: {  	_ =	shalt  }
0x6a: {  	_ =	shalt  }
0x6b: {  	_ =	shalt  }
0x6c: {  	_ =	shalt  }
0x6d: {  	_ =	shalt  }
0x6e: {  	_ =	shalt  }
0x6f: {  	_ =	shalt  }
0x70: {  	_ =	shalt  }
0x71: {  	_ =	shalt  }
0x72: {  	_ =	shalt  }
0x73: {  	_ =	shalt  }
0x74: {  	_ =	shalt  }
0x75: {  	_ =	shalt  }
0x76: {  	_ =	shalt  }
0x77: {  	_ =	shalt  }
0x78: {  	_ =	shalt  }
0x79: {  	_ =	shalt  }
0x7a: {  	_ =	shalt  }
0x7b: {  	_ =	shalt  }
0x7c: {  	_ =	shalt  }
0x7d: {  	_ =	shalt  }
0x7e: {  	_ =	shalt  }
0x7f: {  	_ =	shalt  }
0x80: {  	_ =	shalt  }
0x81: {  	_ =	shalt  }
0x82: {  	_ =	shalt  }
0x83: {  	_ =	shalt  }
0x84: {  	_ =	shalt  }
0x85: {  	_ =	shalt  }
0x86: {  	_ =	shalt  }
0x87: {  	_ =	shalt  }
.Lfunc_end0:
.L_simem_size_0:
called_computation_lowered:
.L_overlay_start_0:
0x88: {  	s2 =	sld [smem:$0x3FD9]  }
0x89: {  	s3 =	sld [smem:$0x3FFE];
	_ =	sdelay $0x1  }
0x8a: {  	s1 =	srdreg.scid  }
0x8b: {  	s0 =	sand.u32 $0x1, s1  }
0x8c: {  	s18 =	sshll.u32 s0, $0xA;
	s2 =	sadd.s32 s3, s2  }
0x8d: {  	s2 =	sadd.s32 s2, s18  }
0x8e: {  	[smem:$0x3FC3] =	sst s2  }
0x8f: {  	_ = 	snop  }
0x90: {  	s2 =	sld [smem:$0x3FC9]  }
0x91: {  	s19 =	sld [smem:$0x3FC8]  }
0x92: {  	s4 =	sld [smem:$0x3FC7]  }
0x93: {  	s5 =	sld [smem:$0x3FC6]  }
0x94: {  	s6 =	sld [smem:$0x3FC5]  }
0x95: {  	s7 =	sld [smem:$0x3FD0];
	(tm) =	ssettm $0x1  }
0x96: {  	s8 =	sld [smem:$0x3FFB];
	_ =	sdelay $0x3  }
0x97: {  	_ =	strace s8  }
0x98: {  	s8 =	sld [smem:$0x3FFC];
	_ =	sdelay $0x3  }
0x99: {  	_ =	strace s8  }
0x9a: {  	s8 =	sld [smem:$0x3FFD];
	_ =	sdelay $0x3  }
0x9b: {  	_ =	strace s8  }
0x9c: {  	_ =	strace $0x8FFFFFFF  }
0x9d: {  	s20 =	sld [smem:$0x3FDB];
	_ =	sdelay $0x1  }
0x9e: {  	s9 =	simm.s32 $_scs_section_size  }
0x9f: {  	s10 =	simm.s32 $_size__tile_overlayer_lowered;
	s11 =	simm.s32 $_tile_overlayer_lowered  }
0xa0: {  	s23 =	simm.s32 $0x1BFF;
	s22 =	sshll.u32 s11, $0x1;
	s8 =	sadd.s32 s9, s20  }
0xa1: {  	s12 =	simm.s32 $0x0;
	s21 =	sshll.u32 s10, $0x1;
	s10 =	sadd.s32 s22, s8  }
0xa2: {  	[timem:s12], [sflag:s23] =	dma.local [hbm:s10], s21  }
0xa3: {  	_ =	swait.ge [sflag:s23], s21  }
0xa4: {  	s9 =	ssub.s32 $0x0, s21;
	[sflag:s23] =	ssyncset.done $0x0  }
0xa5: {  	[sflag:s23] =	ssyncadd.s32 s9;
	_ =	sdelay $0x1  }
0xa6: {  	s24 =	simm.s32 $0x1B8B  }
0xa7: {  	_ =	swait.ge [sflag:s24], $0x1  }
0xa8: {  	[sflag:s24] =	ssyncset.done $0x0  }
0xa9: {  	s25 =	simm.s32 $0x1B8E;
	[sflag:s24] =	ssyncadd.s32 $0xFFFFFFFF  }
0xaa: {  	s26 =	simm.s32 $execute0_lowered;
	[smem:$0x3FD2] =	sst s25  }
0xab: {  	s9 =	sshll.u32 s26, $0x1;
	_ =	strace $0x80000046;
	[dreg:$0x1] =	wrdreg $0xFFFFFFFF  }
0xac: {  	s28 =	simm.s32 $_size_execute0_lowered;
	s8 =	sadd.s32 s8, s9;
	[dreg:$0x0] =	wrdreg $0x0  }
0xad: {  	s9 =	sshll.u32 s28, $0x1;
	[dreg:$0x2] =	wrdreg s8  }
0xae: {  	[dreg:$0x3] =	wrdreg s9  }
0xaf: {  	[dreg:$0x4] =	wrdreg $0xC0  }
0xb0: {  	_ =	task [dreg:s12], $0x5FFFF  }
0xb1: {  	[dreg:$0x1] =	wrdreg $0xFFFFFFFF  }
0xb2: {  	[dreg:$0x0] =	wrdreg $0x60  }
0xb3: {  	[dreg:$0x2] =	wrdreg s2  }
0xb4: {  	[dreg:$0x3] =	wrdreg s19  }
0xb5: {  	[dreg:$0x4] =	wrdreg s4  }
0xb6: {  	[dreg:$0x5] =	wrdreg s5  }
0xb7: {  	[dreg:$0x6] =	wrdreg s6  }
0xb8: {  	[dreg:$0x7] =	wrdreg s7  }
0xb9: {  	[dreg:$0x8] =	wrdreg $0x9  }
0xba: {  	_ =	task.clear_ibuf [dreg:s12], $0x9FFFF;
	_ =	strace $0x90000046  }
0xbb: {  	s29 =	simm.s32 $0x9;
	_ =	strace $0x80000048  }
0xbc: {  	_ =	swait.ge [sflag:s29], $0x1  }
0xbd: {  	[sflag:s29] =	ssyncadd.s32 $0xFFFFFFFF  }
0xbe: {  	_ =	strace $0x90000048  }
0xbf: {  	_ =	sfence  }
0xc0: {  	s30 =	sld [smem:$0x0];
	_ =	sdelay $0x2  }
0xc1: {  	s31 =	sshll.u32 s1, $0xD;
	s1 =	sshrl.u32 s1, $0x2  }
0xc2: {  	s3 =	sand.u32 $0x4000, s31;
	s1 =	sadd.s32 s1, s30  }
0xc3: {  	s0 =	sor.u32 s3, s0;
	s1 =	sshll.u32 s1, $0x11  }
0xc4: {  	s0 =	sor.u32 s1, s0  }
0xc5: {  	s0 =	sadd.s32 $0x8F2B, s0  }
0xc6: {  	[sflag:s0] =	ssyncadd.remote.s32 $0x1  }
0xc7: {  	_ =	sfence.sel $0xFFFF  }
0xc8: {  	[dreg:$0x0] =	wrdreg $0xFFFFFFFF;
	(pc) =	sbr.abs _section_cstart, $3  }
0xc9: {  	[dreg:$0x1] =	wrdreg $0xFFFFFFFF  }
0xca: {  	_ =	task.clear_ibuf [dreg:s12], $0x2FFFF;
	_ =	strace $0x9FFFFFFF  }
0xcb: {  	(tm) =	ssettm $0x7FFFFFFF  }
tec
execute0_lowered:
.L_overlay_start_1:
0x0: {  	(tag) =	ssettag $0x1  }
0x1: {  	s0 =	rddreg [dreg:$0x0]  }
0x2: {  	s14 =	rddreg [dreg:$0x1]  }
0x3: {  	s15 =	rddreg [dreg:$0x2]  }
0x4: {  	s17 =	rddreg [dreg:$0x3];
	s1 =	srdreg.scid  }
0x5: {  	s3 =	stileid.u32;
	s2 =	rddreg [dreg:$0x5]  }
0x6: {  	s8 =	simm.s32 $0x0;
	s11 =	simm.s32 $0x2;
	s12 =	simm.s32 $0x1  }
0x7: {  	s18 =	simm.s32 $0x80;
	s19 =	simm.s32 $0x100;
	s20 =	simm.s32 $0x200  }
0x8: {  	s21 =	simm.s32 $0x300;
	s22 =	simm.s32 $0xB00;
	s23 =	simm.s32 $0x1300  }
0x9: {  	s24 =	simm.s32 $0x4300;
	s1 =	sand.u32 $0x1, s1;
	s3 =	sshll.u32 s3, $0x1  }
0xa: {  	s25 =	simm.s32 $0x4B00;
	s26 =	simm.s32 $0x5300;
	s3 =	sor.u32 s1, s3  }
0xb: {  	s28 =	simm.s32 $0x5B00;
	[dreg:$0x7] =	wrdreg s3;
	s3 =	smul.u32 $0x2800, s3  }
.Ltmp0:
0xc: {  	s29 =	simm.s32 $0x6300;
	s1 =	ssub.s32 $0x2, s1;
	(pc) =	sbr.rel .LBB2_1-.Ltmp0, $4  }
0xd: {  	s30 =	simm.s32 $0x6B00;
	s31 =	simm.s32 $0x7300;
	s4 =	sshrl.u32 s1, $0x1  }
0xe: {  	v3 =	vlaneseq.u32;
	[smem:$0x7FF] =	sst s8;
	s1 =	ssub.s32 s1, s4;
	s2 =	sadd.s32 s2, s3  }
0xf: {  	v0 =	vimm.f32 $0.0e+00;
	vm0 =	vmmov $0xffff;
	v2 =	vshrl.u32 v3, $0x3;
	_ =	strace $0x80000047;
	s1 =	smax.u32 s1, $0x1;
	[dreg:$0x8] =	wrdreg s2  }
0x10: {  	s5 =	simm.s32 $0x7B00;
	v1 =	vand.u32 $0x7, v3;
	v3 =	vor.u32 $0x8, v3;
	v2 =	vmul.u32 $0x8, v2;
	[dreg:$0x9] =	wrdreg s1;
	s2 =	simm.s32 $0x0  }
.LBB2_10:
0x11: {  	s1 =	rddreg [dreg:$0x8];
	s2 =	simm.s32 $0x8300  }
0x12: {  	[hbm4b:s1+s8] =	stream.linear.scatter [tilespmem:s2], [sflag:$0x2], $0x14000, $0x38;
	[tilespmem:$0x1C300] =	vst v63  }
0x13: {  	_ =	swait.ge [sflag:s11], $0x14000  }
0x14: {  	s13 =	rddreg [dreg:$0xa]  }
0x15: {  	s16 =	rddreg [dreg:$0x9];
	s2 =	sadd.s32 $0x1, s13  }
0x16: {  	p0 =	sne.s32 s2, s16  }
.Ltmp1:
0x17: {  	_ = 	snop;
	(pc) =	sbr.rel @!p0 .LBB2_11-.Ltmp1, $3  }
0x18: {  	_ =	sdelay $0x1  }
0x19: {  	[sflag:s11] =	ssyncset.done $0x0  }
0x1a: {  	[sflag:s11] =	ssyncadd.s32 $0xFFFEC000  }
.LBB2_1:
0x1b: {  	s1 =	sand.u32 $0x1F800, s8;
	s16 =	sand.u32 $0x380, s8  }
0x1c: {  	s1 =	sor.u32 s16, s1  }
0x1d: {  	[tilespmem:s1+$0x8770] =	vst v0  }
0x1e: {  	[tilespmem:s1+$0x8300] =	vst v0  }
0x1f: {  	[tilespmem:s1+$0x8310] =	vst v0  }
0x20: {  	[tilespmem:s1+$0x8320] =	vst v0  }
0x21: {  	[tilespmem:s1+$0x8330] =	vst v0  }
0x22: {  	[tilespmem:s1+$0x8340] =	vst v0  }
0x23: {  	[tilespmem:s1+$0x8350] =	vst v0  }
0x24: {  	[tilespmem:s1+$0x8360] =	vst v0  }
0x25: {  	[tilespmem:s1+$0x8370] =	vst v0  }
0x26: {  	[tilespmem:s1+$0x8700] =	vst v0  }
0x27: {  	[tilespmem:s1+$0x8710] =	vst v0  }
0x28: {  	[tilespmem:s1+$0x8720] =	vst v0  }
0x29: {  	[tilespmem:s1+$0x8730] =	vst v0  }
0x2a: {  	[dreg:$0xa] =	wrdreg s2;
	s3 =	simm.s32 $0x100;
	s2 =	simm.s32 $0x80;
	[tilespmem:s1+$0x8740] =	vst v0  }
0x2b: {  	s4 =	sand.u32 $0x1F800, s3;
	s6 =	sand.u32 $0x380, s2;
	s3 =	simm.s32 $0x200;
	[tilespmem:s1+$0x8750] =	vst v0  }
.LBB2_2:
0x2c: {  	p0 =	sne.s32 s3, $0x13F00;
	[tilespmem:s1+$0x8760] =	vst v0;
	s1 =	sor.u32 s6, s4  }
0x2d: {  	[tilespmem:s1+$0x8770] =	vst v0  }
0x2e: {  	[tilespmem:s1+$0x8300] =	vst v0  }
0x2f: {  	[tilespmem:s1+$0x8310] =	vst v0  }
0x30: {  	[tilespmem:s1+$0x8320] =	vst v0  }
0x31: {  	[tilespmem:s1+$0x8330] =	vst v0  }
0x32: {  	[tilespmem:s1+$0x8340] =	vst v0  }
0x33: {  	[tilespmem:s1+$0x8350] =	vst v0  }
0x34: {  	[tilespmem:s1+$0x8360] =	vst v0  }
0x35: {  	[tilespmem:s1+$0x8370] =	vst v0  }
0x36: {  	[tilespmem:s1+$0x8700] =	vst v0  }
.Ltmp2:
0x37: {  	[tilespmem:s1+$0x8710] =	vst v0;
	(pc) =	sbr.rel @p0 .LBB2_2-.Ltmp2, $4  }
0x38: {  	[tilespmem:s1+$0x8720] =	vst v0  }
0x39: {  	[tilespmem:s1+$0x8730] =	vst v0  }
0x3a: {  	s2 =	sadd.s32 $0x80, s2;
	[tilespmem:s1+$0x8740] =	vst v0  }
0x3b: {  	s4 =	sand.u32 $0x1F800, s3;
	s3 =	sadd.s32 $0x100, s3;
	s6 =	sand.u32 $0x380, s2;
	[tilespmem:s1+$0x8750] =	vst v0  }
0x3c: {  	s2 =	sor.u32 s6, s4;
	[tilespmem:s1+$0x8760] =	vst v0  }
0x3d: {  	[tilespmem:s2+$0x8770] =	vst v0  }
0x3e: {  	[tilespmem:s2+$0x8300] =	vst v0  }
0x3f: {  	[tilespmem:s2+$0x8310] =	vst v0  }
0x40: {  	[tilespmem:s2+$0x8320] =	vst v0  }
0x41: {  	[tilespmem:s2+$0x8330] =	vst v0  }
0x42: {  	[tilespmem:s2+$0x8340] =	vst v0  }
0x43: {  	[tilespmem:s2+$0x8350] =	vst v0  }
0x44: {  	[tilespmem:s2+$0x8360] =	vst v0  }
0x45: {  	[tilespmem:s2+$0x8370] =	vst v0  }
0x46: {  	[tilespmem:s2+$0x8700] =	vst v0  }
0x47: {  	[tilespmem:s2+$0x8710] =	vst v0  }
0x48: {  	[tilespmem:s2+$0x8720] =	vst v0  }
0x49: {  	[tilespmem:s2+$0x8730] =	vst v0  }
0x4a: {  	[tilespmem:s2+$0x8740] =	vst v0  }
0x4b: {  	[tilespmem:s2+$0x8750] =	vst v0  }
0x4c: {  	s4 =	rddreg [dreg:$0x4];
	[tilespmem:s2+$0x8760] =	vst v0  }
0x4d: {  	[tilespmem:s8], [sflag:$0x2] =	stream.linear.gather [hbm4b:s4+s8], $0x28, $0x38;
	[tilespmem:$0x1C300] =	vst v63  }
0x4e: {  	_ =	swait.ge [sflag:s11], $0x28  }
0x4f: {  	[sflag:s11] =	ssyncset.done $0x0  }
0x50: {  	s6 =	rddreg [dreg:$0x7];
	[sflag:s11] =	ssyncadd.s32 $0xFFFFFFD8  }
0x51: {  	v4 =	vld [tilespmem:s6+$0x0];
	_ =	sdelay $0x4  }
0x52: {  	(v2sf) =	vpush v4, $0x0;
	_ =	sdelay $0x1  }
0x53: {  	v4 =	vld [tilespmem:s6+$0x1];
	_ =	sdelay $0x4  }
0x54: {  	(v2sf) =	vpush v4, $0x0;
	_ =	sdelay $0x7  }
0x55: {  	s2 =	spop (v2sf)  }
0x56: {  	s7 =	sand.u32 $0x7, s2  }
0x57: {  	s3 =	sshra.s32 s2, $0x1F;
	p0 =	slt.s32 s2, $0x1;
	p1 =	sne.s32 s7, $0x0  }
0x58: {  	s9 =	sshrl.u32 s3, $0x1D;
	p0 =	por !p0, !p1  }
0x59: {  	s3 =	simm.s32 $0x1;
	s1 =	sadd.s32 s9, s2;
	p0 =	por !p0, !p0  }
0x5a: {  	s1 =	sshra.s32 s1, $0x3;
	s3 =	simm.s32 @!p0 $0x0  }
0x5b: {  	s1 =	ssub.s32 s1, s3  }
0x5c: {  	s9 =	spop (v2sf);
	s3 =	sshll.u32 s1, $0x3  }
0x5d: {  	s10 =	ssub.s32 s9, s3  }
0x5e: {  	s4 =	sadd.s32 $0x7F, s10  }
0x5f: {  	s13 =	sand.u32 $0x7F, s4  }
0x60: {  	s16 =	sshra.s32 s4, $0x1F;
	p6 =	slt.s32 s4, $0x1;
	p5 =	sne.s32 s13, $0x0  }
0x61: {  	s6 =	sshrl.u32 s16, $0x19;
	p0 =	por !p6, !p5  }
0x62: {  	s4 =	sadd.s32 s6, s4;
	s6 =	simm.s32 $0x1;
	p0 =	por !p0, !p0  }
0x63: {  	s4 =	sshra.s32 s4, $0x7;
	s6 =	simm.s32 @!p0 $0x0  }
0x64: {  	s7 =	ssub.s32 s4, s6  }
0x65: {  	p0 =	slt.s32 s7, $0x1  }
.Ltmp3:
0x66: {  	_ = 	snop;
	(pc) =	sbr.rel @p0 .LBB2_10-.Ltmp3, $1  }
0x67: {  	_ =	sdelay $0x3  }
.Ltmp4:
0x68: {  	(pc) =	sbr.rel .LBB2_5-.Ltmp4, $3  }
0x69: {  	_ =	sdelay $0x1  }
0x6a: {  	s1 =	sshll.u32 s1, $0x3  }
0x6b: {  	s10 =	smov.u32 s3;
	s6 =	ssub.s32 $0x0, s1;
	s1 =	simm.s32 $0x0  }
.LBB2_8:
0x6c: {  	s14 =	smov.u32 s21;
	s15 =	smov.u32 s22;
	s17 =	smov.u32 s23  }
0x6d: {  	s18 =	simm.s32 $0x80;
	s19 =	simm.s32 $0x100;
	s20 =	simm.s32 $0x200  }
0x6e: {  	s21 =	simm.s32 $0x300;
	s22 =	simm.s32 $0xB00;
	s23 =	simm.s32 $0x1300  }
.LBB2_9:
0x6f: {  	s1 =	sadd.s32 $0x1, s1  }
0x70: {  	p0 =	sne.s32 s1, s7  }
.Ltmp5:
0x71: {  	_ = 	snop;
	(pc) =	sbr.rel @!p0 .LBB2_10-.Ltmp5, $2  }
0x72: {  	_ =	sdelay $0x2  }
0x73: {  	s10 =	sadd.s32 $0x80, s10;
	s6 =	sadd.s32 $0xFFFFFF80, s6  }
.LBB2_5:
0x74: {  	s4 =	sshll.u32 s1, $0x7  }
0x75: {  	s16 =	sadd.s32 s3, s4  }
0x76: {  	s4 =	sshrl.u32 s16, $0x3  }
0x77: {  	s13 =	sadd.s32 s15, s4  }
0x78: {  	[tilespmem:s18], [sflag:$0x2] =	stream.linear.gather [hbm4b:s13+s8], $0x80, $0x38;
	[tilespmem:$0x1C300] =	vst v63  }
0x79: {  	_ =	swait.ge [sflag:s11], $0x80  }
0x7a: {  	[sflag:s11] =	ssyncset.done $0x0  }
0x7b: {  	s13 =	sadd.s32 s14, s4;
	[sflag:s11] =	ssyncadd.s32 $0xFFFFFF80  }
0x7c: {  	[tilespmem:s19], [sflag:$0x2] =	stream.linear.gather [hbm4b:s13+s8], $0x80, $0x38;
	[tilespmem:$0x1C300] =	vst v63  }
0x7d: {  	_ =	swait.ge [sflag:s11], $0x80  }
0x7e: {  	[sflag:s11] =	ssyncset.done $0x0  }
0x7f: {  	s4 =	sadd.s32 s17, s4;
	[sflag:s11] =	ssyncadd.s32 $0xFFFFFF80  }
0x80: {  	[tilespmem:s20], [sflag:$0x2] =	stream.linear.gather [hbm4b:s4+s8], $0x80, $0x38;
	[tilespmem:$0x1C300] =	vst v63  }
0x81: {  	_ =	swait.ge [sflag:s11], $0x80  }
0x82: {  	[sflag:s11] =	ssyncset.done $0x0  }
0x83: {  	[sflag:s11] =	ssyncadd.s32 $0xFFFFFF80  }
0x84: {  	v4 =	vld [tilespmem:$0x80];
	_ =	sdelay $0x4  }
0x85: {  	v5 =	vshll.u32 v4, $0x1  }
0x86: {  	v4 =	vand.u32 $0x7, v4;
	v5 =	vand.u32 $0xFFFFFFF0, v5  }
0x87: {  	v4 =	vor.u32 v4, v5  }
0x88: {  	v5 =	vperm.xlane v4, v1;
	_ =	sdelay $0x1  }
0x89: {  	v4 =	vperm.xlane v4, v3;
	v5 =	vadd.s32 v2, v5;
	_ =	sdelay $0x1  }
0x8a: {  	v4 =	vadd.s32 v2, v4;
	_ =	sdelay $0x2  }
0x8b: {  	[tilespmem:s21], [sflag:$0x1] =	stream.indirect_vreg.gather [hbm4b:s0+s8], $0x80, v5, vm0, $0xb8;
	[tilespmem:$0x1C300] =	vst v63  }
0x8c: {  	_ = 	snop  }
0x8d: {  	[tilespmem:s22], [sflag:$0x1] =	stream.indirect_vreg.gather [hbm4b:s0+s8], $0x80, v4, vm0, $0xb8;
	[tilespmem:$0x1C300] =	vst v63  }
0x8e: {  	v4 =	vld [tilespmem:$0x90];
	_ =	sdelay $0x4  }
0x8f: {  	v5 =	vshll.u32 v4, $0x1  }
0x90: {  	v4 =	vand.u32 $0x7, v4;
	v5 =	vand.u32 $0xFFFFFFF0, v5  }
0x91: {  	v4 =	vor.u32 v4, v5  }
0x92: {  	v5 =	vperm.xlane v4, v1;
	_ =	sdelay $0x1  }
0x93: {  	v4 =	vperm.xlane v4, v3;
	v5 =	vadd.s32 v2, v5;
	_ =	sdelay $0x1  }
0x94: {  	v4 =	vadd.s32 v2, v4;
	_ =	sdelay $0x2  }
0x95: {  	[tilespmem:s23], [sflag:$0x1] =	stream.indirect_vreg.gather [hbm4b:s0+s8], $0x80, v5, vm0, $0xb8;
	[tilespmem:$0x1C300] =	vst v63  }
0x96: {  	s13 =	simm.s32 $0x1B00  }
0x97: {  	[tilespmem:s13], [sflag:$0x1] =	stream.indirect_vreg.gather [hbm4b:s0+s8], $0x80, v4, vm0, $0xb8;
	[tilespmem:$0x1C300] =	vst v63  }
0x98: {  	v4 =	vld [tilespmem:$0xA0];
	_ =	sdelay $0x4  }
0x99: {  	v5 =	vshll.u32 v4, $0x1  }
0x9a: {  	v4 =	vand.u32 $0x7, v4;
	v5 =	vand.u32 $0xFFFFFFF0, v5  }
0x9b: {  	v4 =	vor.u32 v4, v5  }
0x9c: {  	v5 =	vperm.xlane v4, v1;
	_ =	sdelay $0x1  }
0x9d: {  	v4 =	vperm.xlane v4, v3;
	v5 =	vadd.s32 v2, v5;
	_ =	sdelay $0x1  }
0x9e: {  	v4 =	vadd.s32 v2, v4;
	_ =	sdelay $0x1  }
0x9f: {  	s13 =	simm.s32 $0x2300  }
0xa0: {  	[tilespmem:s13], [sflag:$0x1] =	stream.indirect_vreg.gather [hbm4b:s0+s8], $0x80, v5, vm0, $0xb8;
	[tilespmem:$0x1C300] =	vst v63  }
0xa1: {  	s13 =	simm.s32 $0x2B00  }
0xa2: {  	[tilespmem:s13], [sflag:$0x1] =	stream.indirect_vreg.gather [hbm4b:s0+s8], $0x80, v4, vm0, $0xb8;
	[tilespmem:$0x1C300] =	vst v63  }
0xa3: {  	v4 =	vld [tilespmem:$0xB0];
	_ =	sdelay $0x4  }
0xa4: {  	v5 =	vshll.u32 v4, $0x1  }
0xa5: {  	v4 =	vand.u32 $0x7, v4;
	v5 =	vand.u32 $0xFFFFFFF0, v5  }
0xa6: {  	v4 =	vor.u32 v4, v5  }
0xa7: {  	v5 =	vperm.xlane v4, v1;
	_ =	sdelay $0x1  }
0xa8: {  	v4 =	vperm.xlane v4, v3;
	v5 =	vadd.s32 v2, v5;
	_ =	sdelay $0x1  }
0xa9: {  	v4 =	vadd.s32 v2, v4;
	_ =	sdelay $0x1  }
0xaa: {  	s13 =	simm.s32 $0x3300  }
0xab: {  	[tilespmem:s13], [sflag:$0x1] =	stream.indirect_vreg.gather [hbm4b:s0+s8], $0x80, v5, vm0, $0xb8;
	[tilespmem:$0x1C300] =	vst v63  }
0xac: {  	s13 =	simm.s32 $0x3B00  }
0xad: {  	[tilespmem:s13], [sflag:$0x1] =	stream.indirect_vreg.gather [hbm4b:s0+s8], $0x80, v4, vm0, $0xb8;
	[tilespmem:$0x1C300] =	vst v63  }
0xae: {  	v4 =	vld [tilespmem:$0xC0];
	_ =	sdelay $0x4  }
0xaf: {  	v5 =	vshll.u32 v4, $0x1  }
0xb0: {  	v4 =	vand.u32 $0x7, v4;
	v5 =	vand.u32 $0xFFFFFFF0, v5  }
0xb1: {  	v4 =	vor.u32 v4, v5  }
0xb2: {  	v5 =	vperm.xlane v4, v1;
	_ =	sdelay $0x1  }
0xb3: {  	v4 =	vperm.xlane v4, v3;
	v5 =	vadd.s32 v2, v5;
	_ =	sdelay $0x1  }
0xb4: {  	v4 =	vadd.s32 v2, v4;
	_ =	sdelay $0x2  }
0xb5: {  	[tilespmem:s24], [sflag:$0x1] =	stream.indirect_vreg.gather [hbm4b:s0+s8], $0x80, v5, vm0, $0xb8;
	[tilespmem:$0x1C300] =	vst v63  }
0xb6: {  	_ = 	snop  }
0xb7: {  	[tilespmem:s25], [sflag:$0x1] =	stream.indirect_vreg.gather [hbm4b:s0+s8], $0x80, v4, vm0, $0xb8;
	[tilespmem:$0x1C300] =	vst v63  }
0xb8: {  	v4 =	vld [tilespmem:$0xD0];
	_ =	sdelay $0x4  }
0xb9: {  	v5 =	vshll.u32 v4, $0x1  }
0xba: {  	v4 =	vand.u32 $0x7, v4;
	v5 =	vand.u32 $0xFFFFFFF0, v5  }
0xbb: {  	v4 =	vor.u32 v4, v5  }
0xbc: {  	v5 =	vperm.xlane v4, v1;
	_ =	sdelay $0x1  }
0xbd: {  	v4 =	vperm.xlane v4, v3;
	v5 =	vadd.s32 v2, v5;
	_ =	sdelay $0x1  }
0xbe: {  	v4 =	vadd.s32 v2, v4;
	_ =	sdelay $0x2  }
0xbf: {  	[tilespmem:s26], [sflag:$0x1] =	stream.indirect_vreg.gather [hbm4b:s0+s8], $0x80, v5, vm0, $0xb8;
	[tilespmem:$0x1C300] =	vst v63  }
0xc0: {  	_ = 	snop  }
0xc1: {  	[tilespmem:s28], [sflag:$0x1] =	stream.indirect_vreg.gather [hbm4b:s0+s8], $0x80, v4, vm0, $0xb8;
	[tilespmem:$0x1C300] =	vst v63  }
0xc2: {  	v4 =	vld [tilespmem:$0xE0];
	_ =	sdelay $0x4  }
0xc3: {  	v5 =	vshll.u32 v4, $0x1  }
0xc4: {  	v4 =	vand.u32 $0x7, v4;
	v5 =	vand.u32 $0xFFFFFFF0, v5  }
0xc5: {  	v4 =	vor.u32 v4, v5  }
0xc6: {  	v5 =	vperm.xlane v4, v1;
	_ =	sdelay $0x1  }
0xc7: {  	v4 =	vperm.xlane v4, v3;
	v5 =	vadd.s32 v2, v5;
	_ =	sdelay $0x1  }
0xc8: {  	v4 =	vadd.s32 v2, v4;
	_ =	sdelay $0x2  }
0xc9: {  	[tilespmem:s29], [sflag:$0x1] =	stream.indirect_vreg.gather [hbm4b:s0+s8], $0x80, v5, vm0, $0xb8;
	[tilespmem:$0x1C300] =	vst v63  }
0xca: {  	_ = 	snop  }
0xcb: {  	[tilespmem:s30], [sflag:$0x1] =	stream.indirect_vreg.gather [hbm4b:s0+s8], $0x80, v4, vm0, $0xb8;
	[tilespmem:$0x1C300] =	vst v63  }
0xcc: {  	v4 =	vld [tilespmem:$0xF0];
	_ =	sdelay $0x4  }
0xcd: {  	v5 =	vshll.u32 v4, $0x1  }
0xce: {  	v4 =	vand.u32 $0x7, v4;
	v5 =	vand.u32 $0xFFFFFFF0, v5  }
0xcf: {  	v4 =	vor.u32 v4, v5  }
0xd0: {  	v5 =	vperm.xlane v4, v1;
	_ =	sdelay $0x1  }
0xd1: {  	v4 =	vperm.xlane v4, v3;
	v5 =	vadd.s32 v2, v5  }
0xd2: {  	s4 =	sadd.s32 $0x80, s16  }
0xd3: {  	p0 =	sgt.s32 s2, s16;
	p1 =	slt.s32 s9, s4;
	v4 =	vadd.s32 v2, v4  }
0xd4: {  	s16 =	smov.u32 @p0 s2;
	s4 =	smov.u32 @p1 s9  }
0xd5: {  	p0 =	sge.s32 s16, s4  }
0xd6: {  	[tilespmem:s31], [sflag:$0x1] =	stream.indirect_vreg.gather [hbm4b:s0+s8], $0x80, v5, vm0, $0xb8;
	[tilespmem:$0x1C300] =	vst v63  }
.Ltmp6:
0xd7: {  	_ = 	snop;
	(pc) =	sbr.rel @p0 .LBB2_9-.Ltmp6, $4  }
0xd8: {  	[tilespmem:s5], [sflag:$0x1] =	stream.indirect_vreg.gather [hbm4b:s0+s8], $0x80, v4, vm0, $0xb8;
	[tilespmem:$0x1C300] =	vst v63  }
0xd9: {  	_ =	swait.ge [sflag:s12], $0x8000  }
0xda: {  	[sflag:s12] =	ssyncset.done $0x0  }
0xdb: {  	[sflag:s12] =	ssyncadd.s32 $0xFFFF8000  }
0xdc: {  	p0 =	sgt.s32 s2, s10;
	s13 =	smov.u32 s10  }
0xdd: {  	s13 =	smov.u32 @p0 s2  }
0xde: {  	s19 =	sadd.s32 s6, s13  }
0xdf: {  	s20 =	sshll.u32 s19, $0x2  }
0xe0: {  	s22 =	smov.u32 s15;
	s15 =	sshra.s32 s20, $0x2  }
0xe1: {  	s23 =	smov.u32 s17;
	s17 =	sadd.s32 $0x200, s15  }
0xe2: {  	v4 =	vld [tilespmem:s17+$0x0];
	_ =	sdelay $0x4  }
0xe3: {  	(v2sf) =	vpush v4, $0x0;
	_ =	sdelay $0x7  }
0xe4: {  	s21 =	smov.u32 s14;
	s13 =	sshll.u32 s13, $0x7;
	s14 =	sshll.u32 s19, $0x8  }
0xe5: {  	s19 =	sand.u32 $0x380, s13;
	s18 =	sand.u32 $0xFFFFF800, s14  }
0xe6: {  	s18 =	sor.u32 s19, s18  }
0xe7: {  	s15 =	sadd.s32 $0x100, s15;
	v5 =	vld [tilespmem:s18+$0x300]  }
0xe8: {  	v4 =	vld.msk [tilespmem:s15+$0x0 ss:$0x0], $0xffff;
	_ =	sdelay $0x2  }
0xe9: {  	s19 =	spop (v2sf)  }
0xea: {  	s20 =	sshll.u32 s19, $0x8;
	s19 =	sshll.u32 s19, $0x7  }
0xeb: {  	v5 =	vmul.f32 v5, v4;
	s20 =	sand.u32 $0xFFFFF800, s20;
	s19 =	sand.u32 $0x380, s19  }
0xec: {  	s19 =	sor.u32 s19, s20  }
0xed: {  	[tilespmem:s19+$0x8300] =	vst.add.f32.msk $0xffff, v5  }
0xee: {  	v5 =	vld [tilespmem:s18+$0x310];
	_ =	sdelay $0x4  }
0xef: {  	v5 =	vmul.f32 v5, v4;
	_ =	sdelay $0x1  }
0xf0: {  	[tilespmem:s19+$0x8310] =	vst.add.f32.msk $0xffff, v5  }
0xf1: {  	v5 =	vld [tilespmem:s18+$0x320];
	_ =	sdelay $0x4  }
0xf2: {  	v5 =	vmul.f32 v5, v4;
	_ =	sdelay $0x1  }
0xf3: {  	[tilespmem:s19+$0x8320] =	vst.add.f32.msk $0xffff, v5  }
0xf4: {  	v5 =	vld [tilespmem:s18+$0x330];
	_ =	sdelay $0x4  }
0xf5: {  	v5 =	vmul.f32 v5, v4;
	_ =	sdelay $0x1  }
0xf6: {  	[tilespmem:s19+$0x8330] =	vst.add.f32.msk $0xffff, v5  }
0xf7: {  	v5 =	vld [tilespmem:s18+$0x340];
	_ =	sdelay $0x4  }
0xf8: {  	v5 =	vmul.f32 v5, v4;
	_ =	sdelay $0x1  }
0xf9: {  	[tilespmem:s19+$0x8340] =	vst.add.f32.msk $0xffff, v5  }
0xfa: {  	v5 =	vld [tilespmem:s18+$0x350];
	_ =	sdelay $0x4  }
0xfb: {  	v5 =	vmul.f32 v5, v4;
	_ =	sdelay $0x1  }
0xfc: {  	[tilespmem:s19+$0x8350] =	vst.add.f32.msk $0xffff, v5  }
0xfd: {  	v5 =	vld [tilespmem:s18+$0x360];
	_ =	sdelay $0x4  }
0xfe: {  	v5 =	vmul.f32 v5, v4;
	_ =	sdelay $0x1  }
0xff: {  	[tilespmem:s19+$0x8360] =	vst.add.f32.msk $0xffff, v5  }
0x100: {  	v5 =	vld [tilespmem:s18+$0x370];
	_ =	sdelay $0x4  }
0x101: {  	v5 =	vmul.f32 v5, v4;
	_ =	sdelay $0x1  }
0x102: {  	[tilespmem:s19+$0x8370] =	vst.add.f32.msk $0xffff, v5  }
0x103: {  	v5 =	vld [tilespmem:s18+$0x700];
	_ =	sdelay $0x4  }
0x104: {  	v5 =	vmul.f32 v5, v4;
	_ =	sdelay $0x1  }
0x105: {  	[tilespmem:s19+$0x8700] =	vst.add.f32.msk $0xffff, v5  }
0x106: {  	v5 =	vld [tilespmem:s18+$0x710];
	_ =	sdelay $0x4  }
0x107: {  	v5 =	vmul.f32 v5, v4;
	_ =	sdelay $0x1  }
0x108: {  	[tilespmem:s19+$0x8710] =	vst.add.f32.msk $0xffff, v5  }
0x109: {  	v5 =	vld [tilespmem:s18+$0x720];
	_ =	sdelay $0x4  }
0x10a: {  	v5 =	vmul.f32 v5, v4;
	_ =	sdelay $0x1  }
0x10b: {  	[tilespmem:s19+$0x8720] =	vst.add.f32.msk $0xffff, v5  }
0x10c: {  	v5 =	vld [tilespmem:s18+$0x730];
	_ =	sdelay $0x4  }
0x10d: {  	v5 =	vmul.f32 v5, v4;
	_ =	sdelay $0x1  }
0x10e: {  	[tilespmem:s19+$0x8730] =	vst.add.f32.msk $0xffff, v5  }
0x10f: {  	v5 =	vld [tilespmem:s18+$0x740];
	_ =	sdelay $0x4  }
0x110: {  	v5 =	vmul.f32 v5, v4;
	_ =	sdelay $0x1  }
0x111: {  	[tilespmem:s19+$0x8740] =	vst.add.f32.msk $0xffff, v5  }
0x112: {  	v5 =	vld [tilespmem:s18+$0x750];
	_ =	sdelay $0x4  }
0x113: {  	v5 =	vmul.f32 v5, v4;
	_ =	sdelay $0x1  }
0x114: {  	[tilespmem:s19+$0x8750] =	vst.add.f32.msk $0xffff, v5  }
0x115: {  	v5 =	vld [tilespmem:s18+$0x760];
	_ =	sdelay $0x4  }
0x116: {  	v5 =	vmul.f32 v5, v4;
	_ =	sdelay $0x1  }
0x117: {  	[tilespmem:s19+$0x8760] =	vst.add.f32.msk $0xffff, v5  }
0x118: {  	v5 =	vld [tilespmem:s18+$0x770]  }
0x119: {  	s16 =	sadd.s32 $0x1, s16  }
0x11a: {  	p0 =	slt.s32 s16, s4  }
.Ltmp7:
0x11b: {  	_ = 	snop;
	(pc) =	sbr.rel @!p0 .LBB2_8-.Ltmp7, $3  }
0x11c: {  	_ = 	snop  }
0x11d: {  	v4 =	vmul.f32 v5, v4;
	_ =	sdelay $0x1  }
0x11e: {  	s17 =	sadd.s32 $0x1, s17;
	[tilespmem:s19+$0x8770] =	vst.add.f32.msk $0xffff, v4  }
.LBB2_7:
0x11f: {  	v4 =	vld [tilespmem:s17+$0x0];
	s16 =	sadd.s32 $0x1, s16  }
0x120: {  	p0 =	slt.s32 s16, s4;
	_ =	sdelay $0x3  }
0x121: {  	(v2sf) =	vpush v4, $0x0;
	_ =	sdelay $0x8  }
0x122: {  	s13 =	sadd.s32 $0x80, s13;
	s14 =	sadd.s32 $0x100, s14  }
0x123: {  	s15 =	sadd.s32 $0x1, s15;
	s18 =	sand.u32 $0xFFFFF800, s14;
	s19 =	sand.u32 $0x380, s13  }
0x124: {  	s18 =	sor.u32 s19, s18;
	v4 =	vld.msk [tilespmem:s15+$0x0 ss:$0x0], $0xffff  }
0x125: {  	v5 =	vld [tilespmem:s18+$0x300];
	_ =	sdelay $0x2  }
0x126: {  	s19 =	spop (v2sf)  }
0x127: {  	s20 =	sshll.u32 s19, $0x8;
	s19 =	sshll.u32 s19, $0x7  }
0x128: {  	v5 =	vmul.f32 v5, v4;
	s20 =	sand.u32 $0xFFFFF800, s20;
	s19 =	sand.u32 $0x380, s19  }
0x129: {  	s19 =	sor.u32 s19, s20  }
0x12a: {  	[tilespmem:s19+$0x8300] =	vst.add.f32.msk $0xffff, v5  }
0x12b: {  	v5 =	vld [tilespmem:s18+$0x310];
	_ =	sdelay $0x4  }
0x12c: {  	v5 =	vmul.f32 v5, v4;
	_ =	sdelay $0x1  }
0x12d: {  	[tilespmem:s19+$0x8310] =	vst.add.f32.msk $0xffff, v5  }
0x12e: {  	v5 =	vld [tilespmem:s18+$0x320];
	_ =	sdelay $0x4  }
0x12f: {  	v5 =	vmul.f32 v5, v4;
	_ =	sdelay $0x1  }
0x130: {  	[tilespmem:s19+$0x8320] =	vst.add.f32.msk $0xffff, v5  }
0x131: {  	v5 =	vld [tilespmem:s18+$0x330];
	_ =	sdelay $0x4  }
0x132: {  	v5 =	vmul.f32 v5, v4;
	_ =	sdelay $0x1  }
0x133: {  	[tilespmem:s19+$0x8330] =	vst.add.f32.msk $0xffff, v5  }
0x134: {  	v5 =	vld [tilespmem:s18+$0x340];
	_ =	sdelay $0x4  }
0x135: {  	v5 =	vmul.f32 v5, v4;
	_ =	sdelay $0x1  }
0x136: {  	[tilespmem:s19+$0x8340] =	vst.add.f32.msk $0xffff, v5  }
0x137: {  	v5 =	vld [tilespmem:s18+$0x350];
	_ =	sdelay $0x4  }
0x138: {  	v5 =	vmul.f32 v5, v4;
	_ =	sdelay $0x1  }
0x139: {  	[tilespmem:s19+$0x8350] =	vst.add.f32.msk $0xffff, v5  }
0x13a: {  	v5 =	vld [tilespmem:s18+$0x360];
	_ =	sdelay $0x4  }
0x13b: {  	v5 =	vmul.f32 v5, v4;
	_ =	sdelay $0x1  }
0x13c: {  	[tilespmem:s19+$0x8360] =	vst.add.f32.msk $0xffff, v5  }
0x13d: {  	v5 =	vld [tilespmem:s18+$0x370];
	_ =	sdelay $0x4  }
0x13e: {  	v5 =	vmul.f32 v5, v4;
	_ =	sdelay $0x1  }
0x13f: {  	[tilespmem:s19+$0x8370] =	vst.add.f32.msk $0xffff, v5  }
0x140: {  	v5 =	vld [tilespmem:s18+$0x700];
	_ =	sdelay $0x4  }
0x141: {  	v5 =	vmul.f32 v5, v4;
	_ =	sdelay $0x1  }
0x142: {  	[tilespmem:s19+$0x8700] =	vst.add.f32.msk $0xffff, v5  }
0x143: {  	v5 =	vld [tilespmem:s18+$0x710];
	_ =	sdelay $0x4  }
0x144: {  	v5 =	vmul.f32 v5, v4;
	_ =	sdelay $0x1  }
0x145: {  	[tilespmem:s19+$0x8710] =	vst.add.f32.msk $0xffff, v5  }
0x146: {  	v5 =	vld [tilespmem:s18+$0x720];
	_ =	sdelay $0x4  }
0x147: {  	v5 =	vmul.f32 v5, v4;
	_ =	sdelay $0x1  }
0x148: {  	[tilespmem:s19+$0x8720] =	vst.add.f32.msk $0xffff, v5  }
0x149: {  	v5 =	vld [tilespmem:s18+$0x730];
	_ =	sdelay $0x4  }
0x14a: {  	v5 =	vmul.f32 v5, v4;
	_ =	sdelay $0x1  }
0x14b: {  	[tilespmem:s19+$0x8730] =	vst.add.f32.msk $0xffff, v5  }
0x14c: {  	v5 =	vld [tilespmem:s18+$0x740];
	_ =	sdelay $0x4  }
0x14d: {  	v5 =	vmul.f32 v5, v4;
	_ =	sdelay $0x1  }
0x14e: {  	[tilespmem:s19+$0x8740] =	vst.add.f32.msk $0xffff, v5  }
0x14f: {  	v5 =	vld [tilespmem:s18+$0x750];
	_ =	sdelay $0x4  }
0x150: {  	v5 =	vmul.f32 v5, v4;
	_ =	sdelay $0x1  }
0x151: {  	[tilespmem:s19+$0x8750] =	vst.add.f32.msk $0xffff, v5  }
0x152: {  	v5 =	vld [tilespmem:s18+$0x760];
	_ =	sdelay $0x4  }
0x153: {  	v5 =	vmul.f32 v5, v4;
	_ =	sdelay $0x1  }
0x154: {  	[tilespmem:s19+$0x8760] =	vst.add.f32.msk $0xffff, v5  }
0x155: {  	v5 =	vld [tilespmem:s18+$0x770];
	_ =	sdelay $0x2  }
.Ltmp8:
0x156: {  	(pc) =	sbr.rel @p0 .LBB2_7-.Ltmp8, $3  }
0x157: {  	_ = 	snop  }
0x158: {  	v4 =	vmul.f32 v5, v4;
	_ =	sdelay $0x1  }
0x159: {  	s17 =	sadd.s32 $0x1, s17;
	[tilespmem:s19+$0x8770] =	vst.add.f32.msk $0xffff, v4  }
.Ltmp9:
0x15a: {  	_ = 	snop;
	(pc) =	sbr.rel .LBB2_8-.Ltmp9, $1  }
0x15b: {  	_ =	sdelay $0x3  }
.LBB2_11:
0x15c: {  	_ =	sfence.sel $0x180000  }
0x15d: {  	[bflag:$0x0] =	sbarrier.arrive $0xFFFF  }
0x15e: {  	_ =	strace $0x90000047  }
0x15f: {  	s0 =	stileid.u32;
	[bflag:$0x2] =	sbarrier.arrive $0xFFFF  }
0x160: {  	p0 =	sne.s32 s0, $0x0;
	s0 =	rddreg [dreg:$0x6]  }
0x161: {  	s0 =	sadd.s32 @!p0 $0x100000, s0  }
0x162: {  	[sflag:s0] =	ssyncadd.tile.s32 @!p0 $0x1;
	_ =	shalt  }
.Lfunc_end2:
_tile_overlayer_lowered:
.L_overlay_start_2:
0x163: {  	(tag) =	ssettag $0x2  }
0x164: {  	s0 =	rddreg [dreg:$0x0];
	s2 =	stileid.u32  }
0x165: {  	s1 =	rddreg [dreg:$0x1];
	p0 =	sne.s32 s2, $0x0  }
0x166: {  	s3 =	rddreg [dreg:$0x2];
	[bflag:$0x3] =	sbarrier.arrive $0xFFFF;
	s2 =	simm.s32 @!p0 $0x1C02  }
0x167: {  	[timem:s3], [sflag:s2] =	dma.local @!p0 [hbm:s0], s1  }
0x168: {  	s0 =	simm.s32 @!p0 $0x2  }
0x169: {  	_ =	swait.ge @!p0 [sflag:s0], s1  }
0x16a: {  	s1 =	ssub.s32 @!p0 $0x0, s1;
	[sflag:s0] =	ssyncset.done @!p0 $0x0  }
0x16b: {  	[sflag:s0] =	ssyncadd.s32 @!p0 s1  }
0x16c: {  	[bflag:$0x3] =	sbarrier.arrive $0xFFFF  }
0x16d: {  	_ =	shalt  }

</sc_bundles>
